<compile_context>
chip_gen: v7x
topology: tpu7x:2x2x1
jax: 0.10.2.dev20260603
libtpu: 0.0.44.dev20260713+nightly
codegen_flags: <defaults>
</compile_context>

<pallas_src>
import functools

import jax
import jax.numpy as jnp
from jax import lax
from jax.experimental import pallas as pl
from jax.experimental.pallas import tpu as pltpu
from jax.experimental.pallas import tpu_sc as plsc

B = 2
T = 2048
D = 2048
P = 4096
EPS = 1e-8

LANES = 16
NC, NS = 2, 16
NW = NC * NS
PPW = P // NW
CH = 4
NCHUNK = PPW // CH
TCH = T // LANES
UNR = 4


def _softplus(x):
    return jnp.maximum(x, 0.0) + jnp.log1p(jnp.exp(-jnp.abs(x)))


def _weights_body(r_ref, lw_ref, qw_ref):
    r = _softplus(r_ref[:, :])
    li = lax.broadcasted_iota(jnp.int32, (P, LANES), 1).astype(jnp.float32)
    geo = (jnp.exp(-r * T) - 1.0) / (jnp.exp(-r) - 1.0)
    invden = lax.rsqrt(geo + EPS)
    lw_ref[:, :] = jnp.exp(-r * (15.0 - li)) * invden
    qw_ref[:, :] = jnp.broadcast_to(jnp.exp(-16.0 * r), (P, LANES))


_weights_tc = pl.pallas_call(
    _weights_body,
    out_shape=[
        jax.ShapeDtypeStruct((P, LANES), jnp.float32),
        jax.ShapeDtypeStruct((P, LANES), jnp.float32),
    ],
)


@functools.partial(
    pl.kernel,
    mesh=plsc.VectorSubcoreMesh(core_axis_name="c", subcore_axis_name="s"),
    compiler_params=pltpu.CompilerParams(needs_layout_passes=False),
    out_type=jax.ShapeDtypeStruct((B, P), jnp.float32),
    scratch_types=[
        pltpu.VMEM((4 * PPW,), jnp.int32),
        pltpu.VMEM((PPW * LANES,), jnp.float32),
        pltpu.VMEM((PPW * LANES,), jnp.float32),
        pltpu.VMEM((4 * CH, T), jnp.float32),
        pltpu.VMEM((4 * CH, T), jnp.float32),
        pltpu.VMEM((B * PPW * LANES,), jnp.float32),
        pltpu.VMEM((B * PPW,), jnp.float32),
        pltpu.SemaphoreType.DMA,
        pltpu.SemaphoreType.DMA,
    ],
)
def _sync_sc(zT_hbm, gidx_hbm, lw_hbm, qw_hbm, out_hbm,
             idx_v, lw_v, qw_v, rows0_v, rows1_v, part_v, red_v, sem0, sem1):
    wid = lax.axis_index("s") * NC + lax.axis_index("c")
    pbase = wid * PPW
    pltpu.sync_copy(gidx_hbm.at[pl.ds(pbase * 4, PPW * 4)], idx_v)
    pltpu.sync_copy(lw_hbm.at[pl.ds(pbase * LANES, PPW * LANES)], lw_v)
    pltpu.sync_copy(qw_hbm.at[pl.ds(pbase * LANES, PPW * LANES)], qw_v)

    def gather(ch, buf, sem):
        return pltpu.make_async_copy(
            zT_hbm.at[idx_v.at[pl.ds(ch * 4 * CH, 4 * CH)]], buf, sem
        )

    def compute(ch, buf):
        def pair_body(k, carry2):
            pk = ch * CH + k
            lvec = lw_v[pl.ds(pk * LANES, LANES)]
            qvec = qw_v[pl.ds(pk * LANES, LANES)]
            q2 = qvec * qvec
            q4 = q2 * q2

            def t_body(m, accs):
                accs = list(accs)
                base = m * (UNR * LANES)
                for u in range(UNR):
                    s = pl.ds(base + u * LANES, LANES)
                    p0 = buf[4 * k + 0, s] * buf[4 * k + 1, s]
                    p1 = buf[4 * k + 2, s] * buf[4 * k + 3, s]
                    accs[u] = accs[u] * q4 + p0 * lvec
                    accs[UNR + u] = accs[UNR + u] * q4 + p1 * lvec
                return tuple(accs)

            z16 = jnp.zeros((LANES,), jnp.float32)
            accs = lax.fori_loop(0, TCH // UNR, t_body, (z16,) * (2 * UNR))
            a0 = ((accs[0] * qvec + accs[1]) * qvec + accs[2]) * qvec + accs[3]
            a1 = ((accs[4] * qvec + accs[5]) * qvec + accs[6]) * qvec + accs[7]
            part_v[pl.ds(pk * LANES, LANES)] = a0
            part_v[pl.ds((PPW + pk) * LANES, LANES)] = a1
            return carry2

        lax.fori_loop(0, CH, pair_body, 0)

    gather(0, rows0_v, sem0).start()
    gather(1, rows1_v, sem1).start()

    def g_body(g, carry):
        ch0 = 2 * g
        ch1 = 2 * g + 1
        gather(ch0, rows0_v, sem0).wait()
        compute(ch0, rows0_v)

        @pl.when(ch0 + 2 < NCHUNK)
        def _():
            gather(ch0 + 2, rows0_v, sem0).start()

        gather(ch1, rows1_v, sem1).wait()
        compute(ch1, rows1_v)

        @pl.when(ch1 + 2 < NCHUNK)
        def _():
            gather(ch1 + 2, rows1_v, sem1).start()

        return carry

    lax.fori_loop(0, NCHUNK // 2, g_body, 0)

    lane = lax.iota(jnp.int32, LANES)

    def red_body(g, carry):
        idx0 = (g * LANES + lane) * LANES
        acc = jnp.zeros((LANES,), jnp.float32)
        for l in range(LANES):
            acc = acc + plsc.load_gather(part_v, [idx0 + l])
        red_v[pl.ds(g * LANES, LANES)] = acc
        return carry

    lax.fori_loop(0, 2 * PPW // LANES, red_body, 0)

    pltpu.sync_copy(
        red_v.at[pl.ds(0, PPW)],
        out_hbm.at[0, pl.ds(pbase, PPW)],
    )
    pltpu.sync_copy(
        red_v.at[pl.ds(PPW, PPW)],
        out_hbm.at[1, pl.ds(pbase, PPW)],
    )



def kernel(z_history, decay_rates, indices_i, indices_j):
    zT = jnp.swapaxes(z_history, 1, 2).reshape(B * D, T)
    gidx = jnp.stack(
        [indices_i, indices_j, indices_i + D, indices_j + D], axis=1
    ).reshape(-1).astype(jnp.int32)
    lw, qw = _weights_tc(decay_rates.reshape(P, 1))
    lw = lw.reshape(P * LANES)
    qw = qw.reshape(P * LANES)
    return _sync_sc(zT, gidx, lw, qw)

# --- scband reference (transcript-rebuilt; emitter-appended) ---
"""Pipeline reference for scband-synchronization-module-15685220565440 (READ-ONLY COPY).

The authoritative reference and input builder live on the scoring server;
editing this copy changes nothing except your own understanding.
"""

import jax, jax.numpy as jnp
import numpy as np

D = 2048
D_SAMPLE = 4096
EPS = 1e-08


def setup_inputs(seed: int = 0) -> dict:
    key = jax.random.key(seed)
    k1, k2, k3 = jax.random.split(key, 3)
    z_history = jax.random.normal(k1, (2, 2048, D), dtype=jnp.float32)
    # buffers: random neuron-pair indices with i != j (constants, not differentiated)
    indices_i = jax.random.randint(k2, (D_SAMPLE,), 0, D, dtype=jnp.int32)
    indices_j = jax.random.randint(k3, (D_SAMPLE,), 0, D, dtype=jnp.int32)
    indices_j = jnp.where(indices_i == indices_j, (indices_j + 1) % D, indices_j)
    # learned parameter: decay_rates initialized to init_decay=0.0
    decay_rates = jnp.zeros((D_SAMPLE,), dtype=jnp.float32)
    return {
        "z_history": z_history,
        "decay_rates": decay_rates,
        "indices_i": indices_i,
        "indices_j": indices_j,
    }


def reference(z_history, decay_rates, indices_i, indices_j):
    batch_size, t, d = z_history.shape
    r = jax.nn.softplus(decay_rates)  # [D_sample]
    # gather neuron-pair activations: [B, t, D_sample]
    z_i = jnp.take(z_history, indices_i, axis=2)
    z_j = jnp.take(z_history, indices_j, axis=2)
    time_indices = jnp.arange(t, dtype=jnp.float32)
    # decay_weights: [t, D_sample]
    decay_weights = jnp.exp(-r[None, :] * (t - 1 - time_indices)[:, None])
    products = z_i * z_j
    weighted_products = products * decay_weights[None, :, :]
    numerator = weighted_products.sum(axis=1)  # [B, D_sample]
    denominator = jnp.sqrt(decay_weights.sum(axis=0) + EPS)  # [D_sample]
    sync_vector = numerator / denominator[None, :]
    return sync_vector

if __name__ == "__main__":
    import jax
    _d = setup_inputs()
    print(jax.jit(kernel)(*tuple(_d.values())))

</pallas_src>

<mosaic_0001>
#map = affine_map<(d0, d1) -> (0, 0)>
#map1 = affine_map<(d0, d1) -> (0)>
module attributes {stable_mosaic.version = 14 : i64} {
  func.func @_sync_sc(%arg0: i32, %arg1: i32, %arg2: memref<4096x2048xf32, #tpu.memory_space<hbm>>, %arg3: memref<16384xi32, #tpu.memory_space<hbm>>, %arg4: memref<65536xf32, #tpu.memory_space<hbm>>, %arg5: memref<65536xf32, #tpu.memory_space<hbm>>, %arg6: memref<2x4096xf32, #tpu.memory_space<hbm>>, %arg7: memref<512xi32, #tpu.memory_space<vmem>>, %arg8: memref<2048xf32, #tpu.memory_space<vmem>>, %arg9: memref<2048xf32, #tpu.memory_space<vmem>>, %arg10: memref<16x2048xf32, #tpu.memory_space<vmem>>, %arg11: memref<16x2048xf32, #tpu.memory_space<vmem>>, %arg12: memref<4096xf32, #tpu.memory_space<vmem>>, %arg13: memref<256xf32, #tpu.memory_space<vmem>>, %arg14: memref<!tpu.dma_semaphore, #tpu.memory_space<semaphore_mem>>, %arg15: memref<!tpu.dma_semaphore, #tpu.memory_space<semaphore_mem>>) attributes {dimension_semantics = [#tpu.dimension_semantics<core_parallel>, #tpu.dimension_semantics<subcore_parallel>], iteration_bounds = array<i64: 2, 16>, scalar_prefetch = 0 : i64, scratch_operands = 9 : i64, tpu.core_type = #tpu.core_type<sc_vector_subcore>, window_params = [{transform_indices = #map}, {transform_indices = #map1}, {transform_indices = #map1}, {transform_indices = #map1}, {transform_indices = #map}]} {
    %mul3A = arith.constant 2 : i32
    %mul3A_0 = arith.muli %arg1, %mul3A : i32
    %add3A = arith.addi %mul3A_0, %arg0 : i32
    %mul3A_1 = arith.constant 128 : i32
    %mul3A_2 = arith.muli %add3A, %mul3A_1 : i32
    %mul3A_3 = arith.constant 4 : i32
    %mul3A_4 = arith.muli %mul3A_2, %mul3A_3 : i32
    "tpu.region"() ({
      %run_scoped3A_30 = tpu.sem_alloc : memref<!tpu.dma_semaphore, #tpu.memory_space<semaphore_mem>>
      %dma_start3A_31 = tpu.memref_slice %arg3[%mul3A_4] : memref<16384xi32, #tpu.memory_space<hbm>> -> memref<512xi32, #tpu.memory_space<hbm>>
      %dma_start3A_32 = tpu.memref_slice %arg3[%mul3A_4] : memref<16384xi32, #tpu.memory_space<hbm>> -> memref<512xi32, #tpu.memory_space<hbm>>
      tpu.enqueue_dma source(%dma_start3A_32 : memref<512xi32, #tpu.memory_space<hbm>>) target(%arg7 : memref<512xi32, #tpu.memory_space<vmem>>) target_semaphore(%run_scoped3A_30 : memref<!tpu.dma_semaphore, #tpu.memory_space<semaphore_mem>>)
      %dma_wait3A = tpu.memref_slice %arg3[%mul3A_4] : memref<16384xi32, #tpu.memory_space<hbm>> -> memref<512xi32, #tpu.memory_space<hbm>>
      %dma_wait3A_33 = tpu.memref_slice %arg3[%mul3A_4] : memref<16384xi32, #tpu.memory_space<hbm>> -> memref<512xi32, #tpu.memory_space<hbm>>
      tpu.wait_dma2 semaphore(%run_scoped3A_30 : memref<!tpu.dma_semaphore, #tpu.memory_space<semaphore_mem>>) src(%dma_wait3A_33 : memref<512xi32, #tpu.memory_space<hbm>>) dst(%arg7 : memref<512xi32, #tpu.memory_space<vmem>>)
      tpu.yield
    }) : () -> ()
    %mul3A_5 = arith.constant 16 : i32
    %mul3A_6 = arith.muli %mul3A_2, %mul3A_5 : i32
    "tpu.region"() ({
      %run_scoped3A_30 = tpu.sem_alloc : memref<!tpu.dma_semaphore, #tpu.memory_space<semaphore_mem>>
      %dma_start3A_31 = tpu.memref_slice %arg4[%mul3A_6] : memref<65536xf32, #tpu.memory_space<hbm>> -> memref<2048xf32, #tpu.memory_space<hbm>>
      %dma_start3A_32 = tpu.memref_slice %arg4[%mul3A_6] : memref<65536xf32, #tpu.memory_space<hbm>> -> memref<2048xf32, #tpu.memory_space<hbm>>
      tpu.enqueue_dma source(%dma_start3A_32 : memref<2048xf32, #tpu.memory_space<hbm>>) target(%arg8 : memref<2048xf32, #tpu.memory_space<vmem>>) target_semaphore(%run_scoped3A_30 : memref<!tpu.dma_semaphore, #tpu.memory_space<semaphore_mem>>)
      %dma_wait3A = tpu.memref_slice %arg4[%mul3A_6] : memref<65536xf32, #tpu.memory_space<hbm>> -> memref<2048xf32, #tpu.memory_space<hbm>>
      %dma_wait3A_33 = tpu.memref_slice %arg4[%mul3A_6] : memref<65536xf32, #tpu.memory_space<hbm>> -> memref<2048xf32, #tpu.memory_space<hbm>>
      tpu.wait_dma2 semaphore(%run_scoped3A_30 : memref<!tpu.dma_semaphore, #tpu.memory_space<semaphore_mem>>) src(%dma_wait3A_33 : memref<2048xf32, #tpu.memory_space<hbm>>) dst(%arg8 : memref<2048xf32, #tpu.memory_space<vmem>>)
      tpu.yield
    }) : () -> ()
    %mul3A_7 = arith.constant 16 : i32
    %mul3A_8 = arith.muli %mul3A_2, %mul3A_7 : i32
    "tpu.region"() ({
      %run_scoped3A_30 = tpu.sem_alloc : memref<!tpu.dma_semaphore, #tpu.memory_space<semaphore_mem>>
      %dma_start3A_31 = tpu.memref_slice %arg5[%mul3A_8] : memref<65536xf32, #tpu.memory_space<hbm>> -> memref<2048xf32, #tpu.memory_space<hbm>>
      %dma_start3A_32 = tpu.memref_slice %arg5[%mul3A_8] : memref<65536xf32, #tpu.memory_space<hbm>> -> memref<2048xf32, #tpu.memory_space<hbm>>
      tpu.enqueue_dma source(%dma_start3A_32 : memref<2048xf32, #tpu.memory_space<hbm>>) target(%arg9 : memref<2048xf32, #tpu.memory_space<vmem>>) target_semaphore(%run_scoped3A_30 : memref<!tpu.dma_semaphore, #tpu.memory_space<semaphore_mem>>)
      %dma_wait3A = tpu.memref_slice %arg5[%mul3A_8] : memref<65536xf32, #tpu.memory_space<hbm>> -> memref<2048xf32, #tpu.memory_space<hbm>>
      %dma_wait3A_33 = tpu.memref_slice %arg5[%mul3A_8] : memref<65536xf32, #tpu.memory_space<hbm>> -> memref<2048xf32, #tpu.memory_space<hbm>>
      tpu.wait_dma2 semaphore(%run_scoped3A_30 : memref<!tpu.dma_semaphore, #tpu.memory_space<semaphore_mem>>) src(%dma_wait3A_33 : memref<2048xf32, #tpu.memory_space<hbm>>) dst(%arg9 : memref<2048xf32, #tpu.memory_space<vmem>>)
      tpu.yield
    }) : () -> ()
    %dma_start3A = arith.constant 0 : i32
    %dma_start3A_9 = tpu.memref_slice %arg7[%dma_start3A] : memref<512xi32, #tpu.memory_space<vmem>> -> memref<16xi32, #tpu.memory_space<vmem>>
    %dma_start3A_10 = arith.constant 0 : i32
    %dma_start3A_11 = arith.constant 0 : i32
    %dma_start3A_12 = tpu.memref_slice %arg2[%dma_start3A_10, %dma_start3A_11] : memref<4096x2048xf32, #tpu.memory_space<hbm>> -> memref<4096x2048xf32, #tpu.memory_space<hbm>>
    tpu.enqueue_indirect_dma source(%dma_start3A_12 : memref<4096x2048xf32, #tpu.memory_space<hbm>>) target(%arg10 : memref<16x2048xf32, #tpu.memory_space<vmem>>) offsets(%dma_start3A_9 : memref<16xi32, #tpu.memory_space<vmem>>) semaphore(%arg14 : memref<!tpu.dma_semaphore, #tpu.memory_space<semaphore_mem>>)
    %dma_start3A_13 = arith.constant 16 : i32
    %dma_start3A_14 = tpu.memref_slice %arg7[%dma_start3A_13] : memref<512xi32, #tpu.memory_space<vmem>> -> memref<16xi32, #tpu.memory_space<vmem>>
    %dma_start3A_15 = arith.constant 0 : i32
    %dma_start3A_16 = arith.constant 0 : i32
    %dma_start3A_17 = tpu.memref_slice %arg2[%dma_start3A_15, %dma_start3A_16] : memref<4096x2048xf32, #tpu.memory_space<hbm>> -> memref<4096x2048xf32, #tpu.memory_space<hbm>>
    tpu.enqueue_indirect_dma source(%dma_start3A_17 : memref<4096x2048xf32, #tpu.memory_space<hbm>>) target(%arg11 : memref<16x2048xf32, #tpu.memory_space<vmem>>) offsets(%dma_start3A_14 : memref<16xi32, #tpu.memory_space<vmem>>) semaphore(%arg15 : memref<!tpu.dma_semaphore, #tpu.memory_space<semaphore_mem>>)
    %scan3A = arith.constant 0 : i32
    %scan3A_18 = arith.constant 0 : i32
    %scan3A_19 = arith.constant 16 : i32
    %scan3A_20 = arith.addi %scan3A_18, %scan3A_19 : i32
    %scan3A_21 = arith.constant 1 : i32
    scf.for %scan3A_30 = %scan3A_18 to %scan3A_20 step %scan3A_21  : i32 {
      %mul3A_31 = arith.constant 2 : i32
      %mul3A_32 = arith.muli %mul3A_31, %scan3A_30 : i32
      %mul3A_33 = arith.constant 2 : i32
      %mul3A_34 = arith.muli %mul3A_33, %scan3A_30 : i32
      %add3A_35 = arith.constant 1 : i32
      %add3A_36 = arith.addi %mul3A_34, %add3A_35 : i32
      %mul3A_37 = arith.constant 4 : i32
      %mul3A_38 = arith.muli %mul3A_32, %mul3A_37 : i32
      %mul3A_39 = arith.constant 4 : i32
      %mul3A_40 = arith.muli %mul3A_38, %mul3A_39 : i32
      %dma_wait3A = tpu.memref_slice %arg7[%mul3A_40] : memref<512xi32, #tpu.memory_space<vmem>> -> memref<16xi32, #tpu.memory_space<vmem>>
      %dma_wait3A_41 = arith.constant 0 : i32
      %dma_wait3A_42 = arith.constant 0 : i32
      %dma_wait3A_43 = tpu.memref_slice %arg2[%dma_wait3A_41, %dma_wait3A_42] : memref<4096x2048xf32, #tpu.memory_space<hbm>> -> memref<4096x2048xf32, #tpu.memory_space<hbm>>
      tpu.wait_indirect_dma semaphore(%arg14 : memref<!tpu.dma_semaphore, #tpu.memory_space<semaphore_mem>>) src(%dma_wait3A_43 : memref<4096x2048xf32, #tpu.memory_space<hbm>>) dst(%arg10 : memref<16x2048xf32, #tpu.memory_space<vmem>>)
      %scan3A_44 = arith.constant 0 : i32
      %scan3A_45 = arith.constant 0 : i32
      %scan3A_46 = arith.constant 4 : i32
      %scan3A_47 = arith.addi %scan3A_45, %scan3A_46 : i32
      %scan3A_48 = arith.constant 1 : i32
      scf.for %scan3A_75 = %scan3A_45 to %scan3A_47 step %scan3A_48  : i32 {
        %mul3A_76 = arith.constant 4 : i32
        %mul3A_77 = arith.muli %mul3A_32, %mul3A_76 : i32
        %add3A_78 = arith.addi %mul3A_77, %scan3A_75 : i32
        %mul3A_79 = arith.constant 16 : i32
        %mul3A_80 = arith.muli %add3A_78, %mul3A_79 : i32
        %get3A = arith.index_cast %mul3A_80 : i32 to index
        %get3A_81 = tpu.vector_load %arg8[%get3A] {strides = array<i32>} : memref<2048xf32, #tpu.memory_space<vmem>>, vector<16xf32>,
        %mul3A_82 = arith.constant 16 : i32
        %mul3A_83 = arith.muli %add3A_78, %mul3A_82 : i32
        %get3A_84 = arith.index_cast %mul3A_83 : i32 to index
        %get3A_85 = tpu.vector_load %arg9[%get3A_84] {strides = array<i32>} : memref<2048xf32, #tpu.memory_space<vmem>>, vector<16xf32>,
        %mul3A_86 = arith.mulf %get3A_85, %get3A_85 : vector<16xf32>
        %mul3A_87 = arith.mulf %mul3A_86, %mul3A_86 : vector<16xf32>
        %broadcast_in_dim3A = arith.constant 0.000000e+00 : f32
        %broadcast_in_dim3A_88 = vector.broadcast %broadcast_in_dim3A : f32 to vector<16xf32>
        %scan3A_89 = arith.constant 0 : i32
        %scan3A_90 = arith.constant 32 : i32
        %scan3A_91 = arith.addi %scan3A_89, %scan3A_90 : i32
        %scan3A_92 = arith.constant 1 : i32
        %scan3A_93:8 = scf.for %scan3A_116 = %scan3A_89 to %scan3A_91 step %scan3A_92 iter_args(%scan3A_117 = %broadcast_in_dim3A_88, %scan3A_118 = %broadcast_in_dim3A_88, %scan3A_119 = %broadcast_in_dim3A_88, %scan3A_120 = %broadcast_in_dim3A_88, %scan3A_121 = %broadcast_in_dim3A_88, %scan3A_122 = %broadcast_in_dim3A_88, %scan3A_123 = %broadcast_in_dim3A_88, %scan3A_124 = %broadcast_in_dim3A_88) -> (vector<16xf32>, vector<16xf32>, vector<16xf32>, vector<16xf32>, vector<16xf32>, vector<16xf32>, vector<16xf32>, vector<16xf32>)  : i32 {
          %mul3A_125 = arith.constant 64 : i32
          %mul3A_126 = arith.muli %scan3A_116, %mul3A_125 : i32
          %add3A_127 = arith.constant 0 : i32
          %add3A_128 = arith.addi %mul3A_126, %add3A_127 : i32
          %mul3A_129 = arith.constant 4 : i32
          %mul3A_130 = arith.muli %mul3A_129, %scan3A_75 : i32
          %add3A_131 = arith.constant 0 : i32
          %add3A_132 = arith.addi %mul3A_130, %add3A_131 : i32
          %get3A_133 = arith.index_cast %add3A_132 : i32 to index
          %get3A_134 = arith.index_cast %add3A_128 : i32 to index
          %get3A_135 = tpu.vector_load %arg10[%get3A_133, %get3A_134] {strides = array<i32>} : memref<16x2048xf32, #tpu.memory_space<vmem>>, vector<16xf32>,
          %mul3A_136 = arith.constant 4 : i32
          %mul3A_137 = arith.muli %mul3A_136, %scan3A_75 : i32
          %add3A_138 = arith.constant 1 : i32
          %add3A_139 = arith.addi %mul3A_137, %add3A_138 : i32
          %get3A_140 = arith.index_cast %add3A_139 : i32 to index
          %get3A_141 = arith.index_cast %add3A_128 : i32 to index
          %get3A_142 = tpu.vector_load %arg10[%get3A_140, %get3A_141] {strides = array<i32>} : memref<16x2048xf32, #tpu.memory_space<vmem>>, vector<16xf32>,
          %mul3A_143 = arith.mulf %get3A_135, %get3A_142 : vector<16xf32>
          %mul3A_144 = arith.constant 4 : i32
          %mul3A_145 = arith.muli %mul3A_144, %scan3A_75 : i32
          %add3A_146 = arith.constant 2 : i32
          %add3A_147 = arith.addi %mul3A_145, %add3A_146 : i32
          %get3A_148 = arith.index_cast %add3A_147 : i32 to index
          %get3A_149 = arith.index_cast %add3A_128 : i32 to index
          %get3A_150 = tpu.vector_load %arg10[%get3A_148, %get3A_149] {strides = array<i32>} : memref<16x2048xf32, #tpu.memory_space<vmem>>, vector<16xf32>,
          %mul3A_151 = arith.constant 4 : i32
          %mul3A_152 = arith.muli %mul3A_151, %scan3A_75 : i32
          %add3A_153 = arith.constant 3 : i32
          %add3A_154 = arith.addi %mul3A_152, %add3A_153 : i32
          %get3A_155 = arith.index_cast %add3A_154 : i32 to index
          %get3A_156 = arith.index_cast %add3A_128 : i32 to index
          %get3A_157 = tpu.vector_load %arg10[%get3A_155, %get3A_156] {strides = array<i32>} : memref<16x2048xf32, #tpu.memory_space<vmem>>, vector<16xf32>,
          %mul3A_158 = arith.mulf %get3A_150, %get3A_157 : vector<16xf32>
          %mul3A_159 = arith.mulf %scan3A_117, %mul3A_87 : vector<16xf32>
          %mul3A_160 = arith.mulf %mul3A_143, %get3A_81 : vector<16xf32>
          %add3A_161 = arith.addf %mul3A_159, %mul3A_160 : vector<16xf32>
          %mul3A_162 = arith.mulf %scan3A_121, %mul3A_87 : vector<16xf32>
          %mul3A_163 = arith.mulf %mul3A_158, %get3A_81 : vector<16xf32>
          %add3A_164 = arith.addf %mul3A_162, %mul3A_163 : vector<16xf32>
          %add3A_165 = arith.constant 16 : i32
          %add3A_166 = arith.addi %mul3A_126, %add3A_165 : i32
          %mul3A_167 = arith.constant 4 : i32
          %mul3A_168 = arith.muli %mul3A_167, %scan3A_75 : i32
          %add3A_169 = arith.constant 0 : i32
          %add3A_170 = arith.addi %mul3A_168, %add3A_169 : i32
          %get3A_171 = arith.index_cast %add3A_170 : i32 to index
          %get3A_172 = arith.index_cast %add3A_166 : i32 to index
          %get3A_173 = tpu.vector_load %arg10[%get3A_171, %get3A_172] {strides = array<i32>} : memref<16x2048xf32, #tpu.memory_space<vmem>>, vector<16xf32>,
          %mul3A_174 = arith.constant 4 : i32
          %mul3A_175 = arith.muli %mul3A_174, %scan3A_75 : i32
          %add3A_176 = arith.constant 1 : i32
          %add3A_177 = arith.addi %mul3A_175, %add3A_176 : i32
          %get3A_178 = arith.index_cast %add3A_177 : i32 to index
          %get3A_179 = arith.index_cast %add3A_166 : i32 to index
          %get3A_180 = tpu.vector_load %arg10[%get3A_178, %get3A_179] {strides = array<i32>} : memref<16x2048xf32, #tpu.memory_space<vmem>>, vector<16xf32>,
          %mul3A_181 = arith.mulf %get3A_173, %get3A_180 : vector<16xf32>
          %mul3A_182 = arith.constant 4 : i32
          %mul3A_183 = arith.muli %mul3A_182, %scan3A_75 : i32
          %add3A_184 = arith.constant 2 : i32
          %add3A_185 = arith.addi %mul3A_183, %add3A_184 : i32
          %get3A_186 = arith.index_cast %add3A_185 : i32 to index
          %get3A_187 = arith.index_cast %add3A_166 : i32 to index
          %get3A_188 = tpu.vector_load %arg10[%get3A_186, %get3A_187] {strides = array<i32>} : memref<16x2048xf32, #tpu.memory_space<vmem>>, vector<16xf32>,
          %mul3A_189 = arith.constant 4 : i32
          %mul3A_190 = arith.muli %mul3A_189, %scan3A_75 : i32
          %add3A_191 = arith.constant 3 : i32
          %add3A_192 = arith.addi %mul3A_190, %add3A_191 : i32
          %get3A_193 = arith.index_cast %add3A_192 : i32 to index
          %get3A_194 = arith.index_cast %add3A_166 : i32 to index
          %get3A_195 = tpu.vector_load %arg10[%get3A_193, %get3A_194] {strides = array<i32>} : memref<16x2048xf32, #tpu.memory_space<vmem>>, vector<16xf32>,
          %mul3A_196 = arith.mulf %get3A_188, %get3A_195 : vector<16xf32>
          %mul3A_197 = arith.mulf %scan3A_118, %mul3A_87 : vector<16xf32>
          %mul3A_198 = arith.mulf %mul3A_181, %get3A_81 : vector<16xf32>
          %add3A_199 = arith.addf %mul3A_197, %mul3A_198 : vector<16xf32>
          %mul3A_200 = arith.mulf %scan3A_122, %mul3A_87 : vector<16xf32>
          %mul3A_201 = arith.mulf %mul3A_196, %get3A_81 : vector<16xf32>
          %add3A_202 = arith.addf %mul3A_200, %mul3A_201 : vector<16xf32>
          %add3A_203 = arith.constant 32 : i32
          %add3A_204 = arith.addi %mul3A_126, %add3A_203 : i32
          %mul3A_205 = arith.constant 4 : i32
          %mul3A_206 = arith.muli %mul3A_205, %scan3A_75 : i32
          %add3A_207 = arith.constant 0 : i32
          %add3A_208 = arith.addi %mul3A_206, %add3A_207 : i32
          %get3A_209 = arith.index_cast %add3A_208 : i32 to index
          %get3A_210 = arith.index_cast %add3A_204 : i32 to index
          %get3A_211 = tpu.vector_load %arg10[%get3A_209, %get3A_210] {strides = array<i32>} : memref<16x2048xf32, #tpu.memory_space<vmem>>, vector<16xf32>,
          %mul3A_212 = arith.constant 4 : i32
          %mul3A_213 = arith.muli %mul3A_212, %scan3A_75 : i32
          %add3A_214 = arith.constant 1 : i32
          %add3A_215 = arith.addi %mul3A_213, %add3A_214 : i32
          %get3A_216 = arith.index_cast %add3A_215 : i32 to index
          %get3A_217 = arith.index_cast %add3A_204 : i32 to index
          %get3A_218 = tpu.vector_load %arg10[%get3A_216, %get3A_217] {strides = array<i32>} : memref<16x2048xf32, #tpu.memory_space<vmem>>, vector<16xf32>,
          %mul3A_219 = arith.mulf %get3A_211, %get3A_218 : vector<16xf32>
          %mul3A_220 = arith.constant 4 : i32
          %mul3A_221 = arith.muli %mul3A_220, %scan3A_75 : i32
          %add3A_222 = arith.constant 2 : i32
          %add3A_223 = arith.addi %mul3A_221, %add3A_222 : i32
          %get3A_224 = arith.index_cast %add3A_223 : i32 to index
          %get3A_225 = arith.index_cast %add3A_204 : i32 to index
          %get3A_226 = tpu.vector_load %arg10[%get3A_224, %get3A_225] {strides = array<i32>} : memref<16x2048xf32, #tpu.memory_space<vmem>>, vector<16xf32>,
          %mul3A_227 = arith.constant 4 : i32
          %mul3A_228 = arith.muli %mul3A_227, %scan3A_75 : i32
          %add3A_229 = arith.constant 3 : i32
          %add3A_230 = arith.addi %mul3A_228, %add3A_229 : i32
          %get3A_231 = arith.index_cast %add3A_230 : i32 to index
          %get3A_232 = arith.index_cast %add3A_204 : i32 to index
          %get3A_233 = tpu.vector_load %arg10[%get3A_231, %get3A_232] {strides = array<i32>} : memref<16x2048xf32, #tpu.memory_space<vmem>>, vector<16xf32>,
          %mul3A_234 = arith.mulf %get3A_226, %get3A_233 : vector<16xf32>
          %mul3A_235 = arith.mulf %scan3A_119, %mul3A_87 : vector<16xf32>
          %mul3A_236 = arith.mulf %mul3A_219, %get3A_81 : vector<16xf32>
          %add3A_237 = arith.addf %mul3A_235, %mul3A_236 : vector<16xf32>
          %mul3A_238 = arith.mulf %scan3A_123, %mul3A_87 : vector<16xf32>
          %mul3A_239 = arith.mulf %mul3A_234, %get3A_81 : vector<16xf32>
          %add3A_240 = arith.addf %mul3A_238, %mul3A_239 : vector<16xf32>
          %add3A_241 = arith.constant 48 : i32
          %add3A_242 = arith.addi %mul3A_126, %add3A_241 : i32
          %mul3A_243 = arith.constant 4 : i32
          %mul3A_244 = arith.muli %mul3A_243, %scan3A_75 : i32
          %add3A_245 = arith.constant 0 : i32
          %add3A_246 = arith.addi %mul3A_244, %add3A_245 : i32
          %get3A_247 = arith.index_cast %add3A_246 : i32 to index
          %get3A_248 = arith.index_cast %add3A_242 : i32 to index
          %get3A_249 = tpu.vector_load %arg10[%get3A_247, %get3A_248] {strides = array<i32>} : memref<16x2048xf32, #tpu.memory_space<vmem>>, vector<16xf32>,
          %mul3A_250 = arith.constant 4 : i32
          %mul3A_251 = arith.muli %mul3A_250, %scan3A_75 : i32
          %add3A_252 = arith.constant 1 : i32
          %add3A_253 = arith.addi %mul3A_251, %add3A_252 : i32
          %get3A_254 = arith.index_cast %add3A_253 : i32 to index
          %get3A_255 = arith.index_cast %add3A_242 : i32 to index
          %get3A_256 = tpu.vector_load %arg10[%get3A_254, %get3A_255] {strides = array<i32>} : memref<16x2048xf32, #tpu.memory_space<vmem>>, vector<16xf32>,
          %mul3A_257 = arith.mulf %get3A_249, %get3A_256 : vector<16xf32>
          %mul3A_258 = arith.constant 4 : i32
          %mul3A_259 = arith.muli %mul3A_258, %scan3A_75 : i32
          %add3A_260 = arith.constant 2 : i32
          %add3A_261 = arith.addi %mul3A_259, %add3A_260 : i32
          %get3A_262 = arith.index_cast %add3A_261 : i32 to index
          %get3A_263 = arith.index_cast %add3A_242 : i32 to index
          %get3A_264 = tpu.vector_load %arg10[%get3A_262, %get3A_263] {strides = array<i32>} : memref<16x2048xf32, #tpu.memory_space<vmem>>, vector<16xf32>,
          %mul3A_265 = arith.constant 4 : i32
          %mul3A_266 = arith.muli %mul3A_265, %scan3A_75 : i32
          %add3A_267 = arith.constant 3 : i32
          %add3A_268 = arith.addi %mul3A_266, %add3A_267 : i32
          %get3A_269 = arith.index_cast %add3A_268 : i32 to index
          %get3A_270 = arith.index_cast %add3A_242 : i32 to index
          %get3A_271 = tpu.vector_load %arg10[%get3A_269, %get3A_270] {strides = array<i32>} : memref<16x2048xf32, #tpu.memory_space<vmem>>, vector<16xf32>,
          %mul3A_272 = arith.mulf %get3A_264, %get3A_271 : vector<16xf32>
          %mul3A_273 = arith.mulf %scan3A_120, %mul3A_87 : vector<16xf32>
          %mul3A_274 = arith.mulf %mul3A_257, %get3A_81 : vector<16xf32>
          %add3A_275 = arith.addf %mul3A_273, %mul3A_274 : vector<16xf32>
          %mul3A_276 = arith.mulf %scan3A_124, %mul3A_87 : vector<16xf32>
          %mul3A_277 = arith.mulf %mul3A_272, %get3A_81 : vector<16xf32>
          %add3A_278 = arith.addf %mul3A_276, %mul3A_277 : vector<16xf32>
          scf.yield %add3A_161, %add3A_199, %add3A_237, %add3A_275, %add3A_164, %add3A_202, %add3A_240, %add3A_278 : vector<16xf32>, vector<16xf32>, vector<16xf32>, vector<16xf32>, vector<16xf32>, vector<16xf32>, vector<16xf32>, vector<16xf32>
        }
        %scan3A_94 = arith.constant 32 : i32
        %mul3A_95 = arith.mulf %scan3A_93#0, %get3A_85 : vector<16xf32>
        %add3A_96 = arith.addf %mul3A_95, %scan3A_93#1 : vector<16xf32>
        %mul3A_97 = arith.mulf %add3A_96, %get3A_85 : vector<16xf32>
        %add3A_98 = arith.addf %mul3A_97, %scan3A_93#2 : vector<16xf32>
        %mul3A_99 = arith.mulf %add3A_98, %get3A_85 : vector<16xf32>
        %add3A_100 = arith.addf %mul3A_99, %scan3A_93#3 : vector<16xf32>
        %mul3A_101 = arith.mulf %scan3A_93#4, %get3A_85 : vector<16xf32>
        %add3A_102 = arith.addf %mul3A_101, %scan3A_93#5 : vector<16xf32>
        %mul3A_103 = arith.mulf %add3A_102, %get3A_85 : vector<16xf32>
        %add3A_104 = arith.addf %mul3A_103, %scan3A_93#6 : vector<16xf32>
        %mul3A_105 = arith.mulf %add3A_104, %get3A_85 : vector<16xf32>
        %add3A_106 = arith.addf %mul3A_105, %scan3A_93#7 : vector<16xf32>
        %mul3A_107 = arith.constant 16 : i32
        %mul3A_108 = arith.muli %add3A_78, %mul3A_107 : i32
        %swap3A = arith.index_cast %mul3A_108 : i32 to index
        %swap3A_109 = tpu.vector_load %arg12[%swap3A] {strides = array<i32>} : memref<4096xf32, #tpu.memory_space<vmem>>, vector<16xf32>,
        tpu.vector_store %arg12[%swap3A], %add3A_100 {strides = array<i32>} : memref<4096xf32, #tpu.memory_space<vmem>>, vector<16xf32>,
        %add3A_110 = arith.constant 128 : i32
        %add3A_111 = arith.addi %add3A_110, %add3A_78 : i32
        %mul3A_112 = arith.constant 16 : i32
        %mul3A_113 = arith.muli %add3A_111, %mul3A_112 : i32
        %swap3A_114 = arith.index_cast %mul3A_113 : i32 to index
        %swap3A_115 = tpu.vector_load %arg12[%swap3A_114] {strides = array<i32>} : memref<4096xf32, #tpu.memory_space<vmem>>, vector<16xf32>,
        tpu.vector_store %arg12[%swap3A_114], %add3A_106 {strides = array<i32>} : memref<4096xf32, #tpu.memory_space<vmem>>, vector<16xf32>,
      }
      %scan3A_49 = arith.constant 4 : i32
      %add3A_50 = arith.constant 2 : i32
      %add3A_51 = arith.addi %mul3A_32, %add3A_50 : i32
      %lt3A = arith.constant 32 : i32
      %lt3A_52 = arith.cmpi slt, %add3A_51, %lt3A : i32
      %convert_element_type3A = arith.extui %lt3A_52 : i1 to i32
      %cond3A = arith.constant 0 : i32
      %cond3A_53 = arith.cmpi ne, %convert_element_type3A, %cond3A : i32
      scf.if %cond3A_53 {
        %add3A_75 = arith.constant 2 : i32
        %add3A_76 = arith.addi %mul3A_32, %add3A_75 : i32
        %mul3A_77 = arith.constant 4 : i32
        %mul3A_78 = arith.muli %add3A_76, %mul3A_77 : i32
        %mul3A_79 = arith.constant 4 : i32
        %mul3A_80 = arith.muli %mul3A_78, %mul3A_79 : i32
        %dma_start3A_81 = tpu.memref_slice %arg7[%mul3A_80] : memref<512xi32, #tpu.memory_space<vmem>> -> memref<16xi32, #tpu.memory_space<vmem>>
        %dma_start3A_82 = arith.constant 0 : i32
        %dma_start3A_83 = arith.constant 0 : i32
        %dma_start3A_84 = tpu.memref_slice %arg2[%dma_start3A_82, %dma_start3A_83] : memref<4096x2048xf32, #tpu.memory_space<hbm>> -> memref<4096x2048xf32, #tpu.memory_space<hbm>>
        tpu.enqueue_indirect_dma source(%dma_start3A_84 : memref<4096x2048xf32, #tpu.memory_space<hbm>>) target(%arg10 : memref<16x2048xf32, #tpu.memory_space<vmem>>) offsets(%dma_start3A_81 : memref<16xi32, #tpu.memory_space<vmem>>) semaphore(%arg14 : memref<!tpu.dma_semaphore, #tpu.memory_space<semaphore_mem>>)
      } else {
      }
      %mul3A_54 = arith.constant 4 : i32
      %mul3A_55 = arith.muli %add3A_36, %mul3A_54 : i32
      %mul3A_56 = arith.constant 4 : i32
      %mul3A_57 = arith.muli %mul3A_55, %mul3A_56 : i32
      %dma_wait3A_58 = tpu.memref_slice %arg7[%mul3A_57] : memref<512xi32, #tpu.memory_space<vmem>> -> memref<16xi32, #tpu.memory_space<vmem>>
      %dma_wait3A_59 = arith.constant 0 : i32
      %dma_wait3A_60 = arith.constant 0 : i32
      %dma_wait3A_61 = tpu.memref_slice %arg2[%dma_wait3A_59, %dma_wait3A_60] : memref<4096x2048xf32, #tpu.memory_space<hbm>> -> memref<4096x2048xf32, #tpu.memory_space<hbm>>
      tpu.wait_indirect_dma semaphore(%arg15 : memref<!tpu.dma_semaphore, #tpu.memory_space<semaphore_mem>>) src(%dma_wait3A_61 : memref<4096x2048xf32, #tpu.memory_space<hbm>>) dst(%arg11 : memref<16x2048xf32, #tpu.memory_space<vmem>>)
      %scan3A_62 = arith.constant 0 : i32
      %scan3A_63 = arith.constant 0 : i32
      %scan3A_64 = arith.constant 4 : i32
      %scan3A_65 = arith.addi %scan3A_63, %scan3A_64 : i32
      %scan3A_66 = arith.constant 1 : i32
      scf.for %scan3A_75 = %scan3A_63 to %scan3A_65 step %scan3A_66  : i32 {
        %mul3A_76 = arith.constant 4 : i32
        %mul3A_77 = arith.muli %add3A_36, %mul3A_76 : i32
        %add3A_78 = arith.addi %mul3A_77, %scan3A_75 : i32
        %mul3A_79 = arith.constant 16 : i32
        %mul3A_80 = arith.muli %add3A_78, %mul3A_79 : i32
        %get3A = arith.index_cast %mul3A_80 : i32 to index
        %get3A_81 = tpu.vector_load %arg8[%get3A] {strides = array<i32>} : memref<2048xf32, #tpu.memory_space<vmem>>, vector<16xf32>,
        %mul3A_82 = arith.constant 16 : i32
        %mul3A_83 = arith.muli %add3A_78, %mul3A_82 : i32
        %get3A_84 = arith.index_cast %mul3A_83 : i32 to index
        %get3A_85 = tpu.vector_load %arg9[%get3A_84] {strides = array<i32>} : memref<2048xf32, #tpu.memory_space<vmem>>, vector<16xf32>,
        %mul3A_86 = arith.mulf %get3A_85, %get3A_85 : vector<16xf32>
        %mul3A_87 = arith.mulf %mul3A_86, %mul3A_86 : vector<16xf32>
        %broadcast_in_dim3A = arith.constant 0.000000e+00 : f32
        %broadcast_in_dim3A_88 = vector.broadcast %broadcast_in_dim3A : f32 to vector<16xf32>
        %scan3A_89 = arith.constant 0 : i32
        %scan3A_90 = arith.constant 32 : i32
        %scan3A_91 = arith.addi %scan3A_89, %scan3A_90 : i32
        %scan3A_92 = arith.constant 1 : i32
        %scan3A_93:8 = scf.for %scan3A_116 = %scan3A_89 to %scan3A_91 step %scan3A_92 iter_args(%scan3A_117 = %broadcast_in_dim3A_88, %scan3A_118 = %broadcast_in_dim3A_88, %scan3A_119 = %broadcast_in_dim3A_88, %scan3A_120 = %broadcast_in_dim3A_88, %scan3A_121 = %broadcast_in_dim3A_88, %scan3A_122 = %broadcast_in_dim3A_88, %scan3A_123 = %broadcast_in_dim3A_88, %scan3A_124 = %broadcast_in_dim3A_88) -> (vector<16xf32>, vector<16xf32>, vector<16xf32>, vector<16xf32>, vector<16xf32>, vector<16xf32>, vector<16xf32>, vector<16xf32>)  : i32 {
          %mul3A_125 = arith.constant 64 : i32
          %mul3A_126 = arith.muli %scan3A_116, %mul3A_125 : i32
          %add3A_127 = arith.constant 0 : i32
          %add3A_128 = arith.addi %mul3A_126, %add3A_127 : i32
          %mul3A_129 = arith.constant 4 : i32
          %mul3A_130 = arith.muli %mul3A_129, %scan3A_75 : i32
          %add3A_131 = arith.constant 0 : i32
          %add3A_132 = arith.addi %mul3A_130, %add3A_131 : i32
          %get3A_133 = arith.index_cast %add3A_132 : i32 to index
          %get3A_134 = arith.index_cast %add3A_128 : i32 to index
          %get3A_135 = tpu.vector_load %arg11[%get3A_133, %get3A_134] {strides = array<i32>} : memref<16x2048xf32, #tpu.memory_space<vmem>>, vector<16xf32>,
          %mul3A_136 = arith.constant 4 : i32
          %mul3A_137 = arith.muli %mul3A_136, %scan3A_75 : i32
          %add3A_138 = arith.constant 1 : i32
          %add3A_139 = arith.addi %mul3A_137, %add3A_138 : i32
          %get3A_140 = arith.index_cast %add3A_139 : i32 to index
          %get3A_141 = arith.index_cast %add3A_128 : i32 to index
          %get3A_142 = tpu.vector_load %arg11[%get3A_140, %get3A_141] {strides = array<i32>} : memref<16x2048xf32, #tpu.memory_space<vmem>>, vector<16xf32>,
          %mul3A_143 = arith.mulf %get3A_135, %get3A_142 : vector<16xf32>
          %mul3A_144 = arith.constant 4 : i32
          %mul3A_145 = arith.muli %mul3A_144, %scan3A_75 : i32
          %add3A_146 = arith.constant 2 : i32
          %add3A_147 = arith.addi %mul3A_145, %add3A_146 : i32
          %get3A_148 = arith.index_cast %add3A_147 : i32 to index
          %get3A_149 = arith.index_cast %add3A_128 : i32 to index
          %get3A_150 = tpu.vector_load %arg11[%get3A_148, %get3A_149] {strides = array<i32>} : memref<16x2048xf32, #tpu.memory_space<vmem>>, vector<16xf32>,
          %mul3A_151 = arith.constant 4 : i32
          %mul3A_152 = arith.muli %mul3A_151, %scan3A_75 : i32
          %add3A_153 = arith.constant 3 : i32
          %add3A_154 = arith.addi %mul3A_152, %add3A_153 : i32
          %get3A_155 = arith.index_cast %add3A_154 : i32 to index
          %get3A_156 = arith.index_cast %add3A_128 : i32 to index
          %get3A_157 = tpu.vector_load %arg11[%get3A_155, %get3A_156] {strides = array<i32>} : memref<16x2048xf32, #tpu.memory_space<vmem>>, vector<16xf32>,
          %mul3A_158 = arith.mulf %get3A_150, %get3A_157 : vector<16xf32>
          %mul3A_159 = arith.mulf %scan3A_117, %mul3A_87 : vector<16xf32>
          %mul3A_160 = arith.mulf %mul3A_143, %get3A_81 : vector<16xf32>
          %add3A_161 = arith.addf %mul3A_159, %mul3A_160 : vector<16xf32>
          %mul3A_162 = arith.mulf %scan3A_121, %mul3A_87 : vector<16xf32>
          %mul3A_163 = arith.mulf %mul3A_158, %get3A_81 : vector<16xf32>
          %add3A_164 = arith.addf %mul3A_162, %mul3A_163 : vector<16xf32>
          %add3A_165 = arith.constant 16 : i32
          %add3A_166 = arith.addi %mul3A_126, %add3A_165 : i32
          %mul3A_167 = arith.constant 4 : i32
          %mul3A_168 = arith.muli %mul3A_167, %scan3A_75 : i32
          %add3A_169 = arith.constant 0 : i32
          %add3A_170 = arith.addi %mul3A_168, %add3A_169 : i32
          %get3A_171 = arith.index_cast %add3A_170 : i32 to index
          %get3A_172 = arith.index_cast %add3A_166 : i32 to index
          %get3A_173 = tpu.vector_load %arg11[%get3A_171, %get3A_172] {strides = array<i32>} : memref<16x2048xf32, #tpu.memory_space<vmem>>, vector<16xf32>,
          %mul3A_174 = arith.constant 4 : i32
          %mul3A_175 = arith.muli %mul3A_174, %scan3A_75 : i32
          %add3A_176 = arith.constant 1 : i32
          %add3A_177 = arith.addi %mul3A_175, %add3A_176 : i32
          %get3A_178 = arith.index_cast %add3A_177 : i32 to index
          %get3A_179 = arith.index_cast %add3A_166 : i32 to index
          %get3A_180 = tpu.vector_load %arg11[%get3A_178, %get3A_179] {strides = array<i32>} : memref<16x2048xf32, #tpu.memory_space<vmem>>, vector<16xf32>,
          %mul3A_181 = arith.mulf %get3A_173, %get3A_180 : vector<16xf32>
          %mul3A_182 = arith.constant 4 : i32
          %mul3A_183 = arith.muli %mul3A_182, %scan3A_75 : i32
          %add3A_184 = arith.constant 2 : i32
          %add3A_185 = arith.addi %mul3A_183, %add3A_184 : i32
          %get3A_186 = arith.index_cast %add3A_185 : i32 to index
          %get3A_187 = arith.index_cast %add3A_166 : i32 to index
          %get3A_188 = tpu.vector_load %arg11[%get3A_186, %get3A_187] {strides = array<i32>} : memref<16x2048xf32, #tpu.memory_space<vmem>>, vector<16xf32>,
          %mul3A_189 = arith.constant 4 : i32
          %mul3A_190 = arith.muli %mul3A_189, %scan3A_75 : i32
          %add3A_191 = arith.constant 3 : i32
          %add3A_192 = arith.addi %mul3A_190, %add3A_191 : i32
          %get3A_193 = arith.index_cast %add3A_192 : i32 to index
          %get3A_194 = arith.index_cast %add3A_166 : i32 to index
          %get3A_195 = tpu.vector_load %arg11[%get3A_193, %get3A_194] {strides = array<i32>} : memref<16x2048xf32, #tpu.memory_space<vmem>>, vector<16xf32>,
          %mul3A_196 = arith.mulf %get3A_188, %get3A_195 : vector<16xf32>
          %mul3A_197 = arith.mulf %scan3A_118, %mul3A_87 : vector<16xf32>
          %mul3A_198 = arith.mulf %mul3A_181, %get3A_81 : vector<16xf32>
          %add3A_199 = arith.addf %mul3A_197, %mul3A_198 : vector<16xf32>
          %mul3A_200 = arith.mulf %scan3A_122, %mul3A_87 : vector<16xf32>
          %mul3A_201 = arith.mulf %mul3A_196, %get3A_81 : vector<16xf32>
          %add3A_202 = arith.addf %mul3A_200, %mul3A_201 : vector<16xf32>
          %add3A_203 = arith.constant 32 : i32
          %add3A_204 = arith.addi %mul3A_126, %add3A_203 : i32
          %mul3A_205 = arith.constant 4 : i32
          %mul3A_206 = arith.muli %mul3A_205, %scan3A_75 : i32
          %add3A_207 = arith.constant 0 : i32
          %add3A_208 = arith.addi %mul3A_206, %add3A_207 : i32
          %get3A_209 = arith.index_cast %add3A_208 : i32 to index
          %get3A_210 = arith.index_cast %add3A_204 : i32 to index
          %get3A_211 = tpu.vector_load %arg11[%get3A_209, %get3A_210] {strides = array<i32>} : memref<16x2048xf32, #tpu.memory_space<vmem>>, vector<16xf32>,
          %mul3A_212 = arith.constant 4 : i32
          %mul3A_213 = arith.muli %mul3A_212, %scan3A_75 : i32
          %add3A_214 = arith.constant 1 : i32
          %add3A_215 = arith.addi %mul3A_213, %add3A_214 : i32
          %get3A_216 = arith.index_cast %add3A_215 : i32 to index
          %get3A_217 = arith.index_cast %add3A_204 : i32 to index
          %get3A_218 = tpu.vector_load %arg11[%get3A_216, %get3A_217] {strides = array<i32>} : memref<16x2048xf32, #tpu.memory_space<vmem>>, vector<16xf32>,
          %mul3A_219 = arith.mulf %get3A_211, %get3A_218 : vector<16xf32>
          %mul3A_220 = arith.constant 4 : i32
          %mul3A_221 = arith.muli %mul3A_220, %scan3A_75 : i32
          %add3A_222 = arith.constant 2 : i32
          %add3A_223 = arith.addi %mul3A_221, %add3A_222 : i32
          %get3A_224 = arith.index_cast %add3A_223 : i32 to index
          %get3A_225 = arith.index_cast %add3A_204 : i32 to index
          %get3A_226 = tpu.vector_load %arg11[%get3A_224, %get3A_225] {strides = array<i32>} : memref<16x2048xf32, #tpu.memory_space<vmem>>, vector<16xf32>,
          %mul3A_227 = arith.constant 4 : i32
          %mul3A_228 = arith.muli %mul3A_227, %scan3A_75 : i32
          %add3A_229 = arith.constant 3 : i32
          %add3A_230 = arith.addi %mul3A_228, %add3A_229 : i32
          %get3A_231 = arith.index_cast %add3A_230 : i32 to index
          %get3A_232 = arith.index_cast %add3A_204 : i32 to index
          %get3A_233 = tpu.vector_load %arg11[%get3A_231, %get3A_232] {strides = array<i32>} : memref<16x2048xf32, #tpu.memory_space<vmem>>, vector<16xf32>,
          %mul3A_234 = arith.mulf %get3A_226, %get3A_233 : vector<16xf32>
          %mul3A_235 = arith.mulf %scan3A_119, %mul3A_87 : vector<16xf32>
          %mul3A_236 = arith.mulf %mul3A_219, %get3A_81 : vector<16xf32>
          %add3A_237 = arith.addf %mul3A_235, %mul3A_236 : vector<16xf32>
          %mul3A_238 = arith.mulf %scan3A_123, %mul3A_87 : vector<16xf32>
          %mul3A_239 = arith.mulf %mul3A_234, %get3A_81 : vector<16xf32>
          %add3A_240 = arith.addf %mul3A_238, %mul3A_239 : vector<16xf32>
          %add3A_241 = arith.constant 48 : i32
          %add3A_242 = arith.addi %mul3A_126, %add3A_241 : i32
          %mul3A_243 = arith.constant 4 : i32
          %mul3A_244 = arith.muli %mul3A_243, %scan3A_75 : i32
          %add3A_245 = arith.constant 0 : i32
          %add3A_246 = arith.addi %mul3A_244, %add3A_245 : i32
          %get3A_247 = arith.index_cast %add3A_246 : i32 to index
          %get3A_248 = arith.index_cast %add3A_242 : i32 to index
          %get3A_249 = tpu.vector_load %arg11[%get3A_247, %get3A_248] {strides = array<i32>} : memref<16x2048xf32, #tpu.memory_space<vmem>>, vector<16xf32>,
          %mul3A_250 = arith.constant 4 : i32
          %mul3A_251 = arith.muli %mul3A_250, %scan3A_75 : i32
          %add3A_252 = arith.constant 1 : i32
          %add3A_253 = arith.addi %mul3A_251, %add3A_252 : i32
          %get3A_254 = arith.index_cast %add3A_253 : i32 to index
          %get3A_255 = arith.index_cast %add3A_242 : i32 to index
          %get3A_256 = tpu.vector_load %arg11[%get3A_254, %get3A_255] {strides = array<i32>} : memref<16x2048xf32, #tpu.memory_space<vmem>>, vector<16xf32>,
          %mul3A_257 = arith.mulf %get3A_249, %get3A_256 : vector<16xf32>
          %mul3A_258 = arith.constant 4 : i32
          %mul3A_259 = arith.muli %mul3A_258, %scan3A_75 : i32
          %add3A_260 = arith.constant 2 : i32
          %add3A_261 = arith.addi %mul3A_259, %add3A_260 : i32
          %get3A_262 = arith.index_cast %add3A_261 : i32 to index
          %get3A_263 = arith.index_cast %add3A_242 : i32 to index
          %get3A_264 = tpu.vector_load %arg11[%get3A_262, %get3A_263] {strides = array<i32>} : memref<16x2048xf32, #tpu.memory_space<vmem>>, vector<16xf32>,
          %mul3A_265 = arith.constant 4 : i32
          %mul3A_266 = arith.muli %mul3A_265, %scan3A_75 : i32
          %add3A_267 = arith.constant 3 : i32
          %add3A_268 = arith.addi %mul3A_266, %add3A_267 : i32
          %get3A_269 = arith.index_cast %add3A_268 : i32 to index
          %get3A_270 = arith.index_cast %add3A_242 : i32 to index
          %get3A_271 = tpu.vector_load %arg11[%get3A_269, %get3A_270] {strides = array<i32>} : memref<16x2048xf32, #tpu.memory_space<vmem>>, vector<16xf32>,
          %mul3A_272 = arith.mulf %get3A_264, %get3A_271 : vector<16xf32>
          %mul3A_273 = arith.mulf %scan3A_120, %mul3A_87 : vector<16xf32>
          %mul3A_274 = arith.mulf %mul3A_257, %get3A_81 : vector<16xf32>
          %add3A_275 = arith.addf %mul3A_273, %mul3A_274 : vector<16xf32>
          %mul3A_276 = arith.mulf %scan3A_124, %mul3A_87 : vector<16xf32>
          %mul3A_277 = arith.mulf %mul3A_272, %get3A_81 : vector<16xf32>
          %add3A_278 = arith.addf %mul3A_276, %mul3A_277 : vector<16xf32>
          scf.yield %add3A_161, %add3A_199, %add3A_237, %add3A_275, %add3A_164, %add3A_202, %add3A_240, %add3A_278 : vector<16xf32>, vector<16xf32>, vector<16xf32>, vector<16xf32>, vector<16xf32>, vector<16xf32>, vector<16xf32>, vector<16xf32>
        }
        %scan3A_94 = arith.constant 32 : i32
        %mul3A_95 = arith.mulf %scan3A_93#0, %get3A_85 : vector<16xf32>
        %add3A_96 = arith.addf %mul3A_95, %scan3A_93#1 : vector<16xf32>
        %mul3A_97 = arith.mulf %add3A_96, %get3A_85 : vector<16xf32>
        %add3A_98 = arith.addf %mul3A_97, %scan3A_93#2 : vector<16xf32>
        %mul3A_99 = arith.mulf %add3A_98, %get3A_85 : vector<16xf32>
        %add3A_100 = arith.addf %mul3A_99, %scan3A_93#3 : vector<16xf32>
        %mul3A_101 = arith.mulf %scan3A_93#4, %get3A_85 : vector<16xf32>
        %add3A_102 = arith.addf %mul3A_101, %scan3A_93#5 : vector<16xf32>
        %mul3A_103 = arith.mulf %add3A_102, %get3A_85 : vector<16xf32>
        %add3A_104 = arith.addf %mul3A_103, %scan3A_93#6 : vector<16xf32>
        %mul3A_105 = arith.mulf %add3A_104, %get3A_85 : vector<16xf32>
        %add3A_106 = arith.addf %mul3A_105, %scan3A_93#7 : vector<16xf32>
        %mul3A_107 = arith.constant 16 : i32
        %mul3A_108 = arith.muli %add3A_78, %mul3A_107 : i32
        %swap3A = arith.index_cast %mul3A_108 : i32 to index
        %swap3A_109 = tpu.vector_load %arg12[%swap3A] {strides = array<i32>} : memref<4096xf32, #tpu.memory_space<vmem>>, vector<16xf32>,
        tpu.vector_store %arg12[%swap3A], %add3A_100 {strides = array<i32>} : memref<4096xf32, #tpu.memory_space<vmem>>, vector<16xf32>,
        %add3A_110 = arith.constant 128 : i32
        %add3A_111 = arith.addi %add3A_110, %add3A_78 : i32
        %mul3A_112 = arith.constant 16 : i32
        %mul3A_113 = arith.muli %add3A_111, %mul3A_112 : i32
        %swap3A_114 = arith.index_cast %mul3A_113 : i32 to index
        %swap3A_115 = tpu.vector_load %arg12[%swap3A_114] {strides = array<i32>} : memref<4096xf32, #tpu.memory_space<vmem>>, vector<16xf32>,
        tpu.vector_store %arg12[%swap3A_114], %add3A_106 {strides = array<i32>} : memref<4096xf32, #tpu.memory_space<vmem>>, vector<16xf32>,
      }
      %scan3A_67 = arith.constant 4 : i32
      %add3A_68 = arith.constant 2 : i32
      %add3A_69 = arith.addi %add3A_36, %add3A_68 : i32
      %lt3A_70 = arith.constant 32 : i32
      %lt3A_71 = arith.cmpi slt, %add3A_69, %lt3A_70 : i32
      %convert_element_type3A_72 = arith.extui %lt3A_71 : i1 to i32
      %cond3A_73 = arith.constant 0 : i32
      %cond3A_74 = arith.cmpi ne, %convert_element_type3A_72, %cond3A_73 : i32
      scf.if %cond3A_74 {
        %add3A_75 = arith.constant 2 : i32
        %add3A_76 = arith.addi %add3A_36, %add3A_75 : i32
        %mul3A_77 = arith.constant 4 : i32
        %mul3A_78 = arith.muli %add3A_76, %mul3A_77 : i32
        %mul3A_79 = arith.constant 4 : i32
        %mul3A_80 = arith.muli %mul3A_78, %mul3A_79 : i32
        %dma_start3A_81 = tpu.memref_slice %arg7[%mul3A_80] : memref<512xi32, #tpu.memory_space<vmem>> -> memref<16xi32, #tpu.memory_space<vmem>>
        %dma_start3A_82 = arith.constant 0 : i32
        %dma_start3A_83 = arith.constant 0 : i32
        %dma_start3A_84 = tpu.memref_slice %arg2[%dma_start3A_82, %dma_start3A_83] : memref<4096x2048xf32, #tpu.memory_space<hbm>> -> memref<4096x2048xf32, #tpu.memory_space<hbm>>
        tpu.enqueue_indirect_dma source(%dma_start3A_84 : memref<4096x2048xf32, #tpu.memory_space<hbm>>) target(%arg11 : memref<16x2048xf32, #tpu.memory_space<vmem>>) offsets(%dma_start3A_81 : memref<16xi32, #tpu.memory_space<vmem>>) semaphore(%arg15 : memref<!tpu.dma_semaphore, #tpu.memory_space<semaphore_mem>>)
      } else {
      }
    }
    %scan3A_22 = arith.constant 16 : i32
    %iota3A = tpu.iota {dimensions = array<i32: 0>} : vector<16xi32>
    %scan3A_23 = arith.constant 0 : i32
    %scan3A_24 = arith.constant 0 : i32
    %scan3A_25 = arith.constant 16 : i32
    %scan3A_26 = arith.addi %scan3A_24, %scan3A_25 : i32
    %scan3A_27 = arith.constant 1 : i32
    scf.for %scan3A_30 = %scan3A_24 to %scan3A_26 step %scan3A_27  : i32 {
      %mul3A_31 = arith.constant 16 : i32
      %mul3A_32 = arith.muli %scan3A_30, %mul3A_31 : i32
      %add3A_33 = vector.broadcast %mul3A_32 : i32 to vector<16xi32>
      %add3A_34 = arith.addi %add3A_33, %iota3A : vector<16xi32>
      %mul3A_35 = arith.constant 16 : i32
      %mul3A_36 = vector.broadcast %mul3A_35 : i32 to vector<16xi32>
      %mul3A_37 = arith.muli %add3A_34, %mul3A_36 : vector<16xi32>
      %broadcast_in_dim3A = arith.constant 0.000000e+00 : f32
      %broadcast_in_dim3A_38 = vector.broadcast %broadcast_in_dim3A : f32 to vector<16xf32>
      %add3A_39 = arith.constant 0 : i32
      %add3A_40 = vector.broadcast %add3A_39 : i32 to vector<16xi32>
      %add3A_41 = arith.addi %mul3A_37, %add3A_40 : vector<16xi32>
      %gather3A = tpu.vector_load_idx %arg12[%add3A_41] : memref<4096xf32, #tpu.memory_space<vmem>>[vector<16xi32>], vector<16xf32>,
      %add3A_42 = arith.addf %broadcast_in_dim3A_38, %gather3A : vector<16xf32>
      %add3A_43 = arith.constant 1 : i32
      %add3A_44 = vector.broadcast %add3A_43 : i32 to vector<16xi32>
      %add3A_45 = arith.addi %mul3A_37, %add3A_44 : vector<16xi32>
      %gather3A_46 = tpu.vector_load_idx %arg12[%add3A_45] : memref<4096xf32, #tpu.memory_space<vmem>>[vector<16xi32>], vector<16xf32>,
      %add3A_47 = arith.addf %add3A_42, %gather3A_46 : vector<16xf32>
      %add3A_48 = arith.constant 2 : i32
      %add3A_49 = vector.broadcast %add3A_48 : i32 to vector<16xi32>
      %add3A_50 = arith.addi %mul3A_37, %add3A_49 : vector<16xi32>
      %gather3A_51 = tpu.vector_load_idx %arg12[%add3A_50] : memref<4096xf32, #tpu.memory_space<vmem>>[vector<16xi32>], vector<16xf32>,
      %add3A_52 = arith.addf %add3A_47, %gather3A_51 : vector<16xf32>
      %add3A_53 = arith.constant 3 : i32
      %add3A_54 = vector.broadcast %add3A_53 : i32 to vector<16xi32>
      %add3A_55 = arith.addi %mul3A_37, %add3A_54 : vector<16xi32>
      %gather3A_56 = tpu.vector_load_idx %arg12[%add3A_55] : memref<4096xf32, #tpu.memory_space<vmem>>[vector<16xi32>], vector<16xf32>,
      %add3A_57 = arith.addf %add3A_52, %gather3A_56 : vector<16xf32>
      %add3A_58 = arith.constant 4 : i32
      %add3A_59 = vector.broadcast %add3A_58 : i32 to vector<16xi32>
      %add3A_60 = arith.addi %mul3A_37, %add3A_59 : vector<16xi32>
      %gather3A_61 = tpu.vector_load_idx %arg12[%add3A_60] : memref<4096xf32, #tpu.memory_space<vmem>>[vector<16xi32>], vector<16xf32>,
      %add3A_62 = arith.addf %add3A_57, %gather3A_61 : vector<16xf32>
      %add3A_63 = arith.constant 5 : i32
      %add3A_64 = vector.broadcast %add3A_63 : i32 to vector<16xi32>
      %add3A_65 = arith.addi %mul3A_37, %add3A_64 : vector<16xi32>
      %gather3A_66 = tpu.vector_load_idx %arg12[%add3A_65] : memref<4096xf32, #tpu.memory_space<vmem>>[vector<16xi32>], vector<16xf32>,
      %add3A_67 = arith.addf %add3A_62, %gather3A_66 : vector<16xf32>
      %add3A_68 = arith.constant 6 : i32
      %add3A_69 = vector.broadcast %add3A_68 : i32 to vector<16xi32>
      %add3A_70 = arith.addi %mul3A_37, %add3A_69 : vector<16xi32>
      %gather3A_71 = tpu.vector_load_idx %arg12[%add3A_70] : memref<4096xf32, #tpu.memory_space<vmem>>[vector<16xi32>], vector<16xf32>,
      %add3A_72 = arith.addf %add3A_67, %gather3A_71 : vector<16xf32>
      %add3A_73 = arith.constant 7 : i32
      %add3A_74 = vector.broadcast %add3A_73 : i32 to vector<16xi32>
      %add3A_75 = arith.addi %mul3A_37, %add3A_74 : vector<16xi32>
      %gather3A_76 = tpu.vector_load_idx %arg12[%add3A_75] : memref<4096xf32, #tpu.memory_space<vmem>>[vector<16xi32>], vector<16xf32>,
      %add3A_77 = arith.addf %add3A_72, %gather3A_76 : vector<16xf32>
      %add3A_78 = arith.constant 8 : i32
      %add3A_79 = vector.broadcast %add3A_78 : i32 to vector<16xi32>
      %add3A_80 = arith.addi %mul3A_37, %add3A_79 : vector<16xi32>
      %gather3A_81 = tpu.vector_load_idx %arg12[%add3A_80] : memref<4096xf32, #tpu.memory_space<vmem>>[vector<16xi32>], vector<16xf32>,
      %add3A_82 = arith.addf %add3A_77, %gather3A_81 : vector<16xf32>
      %add3A_83 = arith.constant 9 : i32
      %add3A_84 = vector.broadcast %add3A_83 : i32 to vector<16xi32>
      %add3A_85 = arith.addi %mul3A_37, %add3A_84 : vector<16xi32>
      %gather3A_86 = tpu.vector_load_idx %arg12[%add3A_85] : memref<4096xf32, #tpu.memory_space<vmem>>[vector<16xi32>], vector<16xf32>,
      %add3A_87 = arith.addf %add3A_82, %gather3A_86 : vector<16xf32>
      %add3A_88 = arith.constant 10 : i32
      %add3A_89 = vector.broadcast %add3A_88 : i32 to vector<16xi32>
      %add3A_90 = arith.addi %mul3A_37, %add3A_89 : vector<16xi32>
      %gather3A_91 = tpu.vector_load_idx %arg12[%add3A_90] : memref<4096xf32, #tpu.memory_space<vmem>>[vector<16xi32>], vector<16xf32>,
      %add3A_92 = arith.addf %add3A_87, %gather3A_91 : vector<16xf32>
      %add3A_93 = arith.constant 11 : i32
      %add3A_94 = vector.broadcast %add3A_93 : i32 to vector<16xi32>
      %add3A_95 = arith.addi %mul3A_37, %add3A_94 : vector<16xi32>
      %gather3A_96 = tpu.vector_load_idx %arg12[%add3A_95] : memref<4096xf32, #tpu.memory_space<vmem>>[vector<16xi32>], vector<16xf32>,
      %add3A_97 = arith.addf %add3A_92, %gather3A_96 : vector<16xf32>
      %add3A_98 = arith.constant 12 : i32
      %add3A_99 = vector.broadcast %add3A_98 : i32 to vector<16xi32>
      %add3A_100 = arith.addi %mul3A_37, %add3A_99 : vector<16xi32>
      %gather3A_101 = tpu.vector_load_idx %arg12[%add3A_100] : memref<4096xf32, #tpu.memory_space<vmem>>[vector<16xi32>], vector<16xf32>,
      %add3A_102 = arith.addf %add3A_97, %gather3A_101 : vector<16xf32>
      %add3A_103 = arith.constant 13 : i32
      %add3A_104 = vector.broadcast %add3A_103 : i32 to vector<16xi32>
      %add3A_105 = arith.addi %mul3A_37, %add3A_104 : vector<16xi32>
      %gather3A_106 = tpu.vector_load_idx %arg12[%add3A_105] : memref<4096xf32, #tpu.memory_space<vmem>>[vector<16xi32>], vector<16xf32>,
      %add3A_107 = arith.addf %add3A_102, %gather3A_106 : vector<16xf32>
      %add3A_108 = arith.constant 14 : i32
      %add3A_109 = vector.broadcast %add3A_108 : i32 to vector<16xi32>
      %add3A_110 = arith.addi %mul3A_37, %add3A_109 : vector<16xi32>
      %gather3A_111 = tpu.vector_load_idx %arg12[%add3A_110] : memref<4096xf32, #tpu.memory_space<vmem>>[vector<16xi32>], vector<16xf32>,
      %add3A_112 = arith.addf %add3A_107, %gather3A_111 : vector<16xf32>
      %add3A_113 = arith.constant 15 : i32
      %add3A_114 = vector.broadcast %add3A_113 : i32 to vector<16xi32>
      %add3A_115 = arith.addi %mul3A_37, %add3A_114 : vector<16xi32>
      %gather3A_116 = tpu.vector_load_idx %arg12[%add3A_115] : memref<4096xf32, #tpu.memory_space<vmem>>[vector<16xi32>], vector<16xf32>,
      %add3A_117 = arith.addf %add3A_112, %gather3A_116 : vector<16xf32>
      %mul3A_118 = arith.constant 16 : i32
      %mul3A_119 = arith.muli %scan3A_30, %mul3A_118 : i32
      %swap3A = arith.index_cast %mul3A_119 : i32 to index
      %swap3A_120 = tpu.vector_load %arg13[%swap3A] {strides = array<i32>} : memref<256xf32, #tpu.memory_space<vmem>>, vector<16xf32>,
      tpu.vector_store %arg13[%swap3A], %add3A_117 {strides = array<i32>} : memref<256xf32, #tpu.memory_space<vmem>>, vector<16xf32>,
    }
    %scan3A_28 = arith.constant 16 : i32
    %run_scoped3A = arith.constant 0 : i32
    "tpu.region"() ({
      %run_scoped3A_30 = tpu.sem_alloc : memref<!tpu.dma_semaphore, #tpu.memory_space<semaphore_mem>>
      %dma_start3A_31 = arith.constant 0 : i32
      %dma_start3A_32 = tpu.memref_slice %arg13[%dma_start3A_31] : memref<256xf32, #tpu.memory_space<vmem>> -> memref<128xf32, #tpu.memory_space<vmem>>
      %dma_start3A_33 = tpu.memref_slice %arg6[%run_scoped3A, %mul3A_2] : memref<2x4096xf32, #tpu.memory_space<hbm>> -> memref<1x128xf32, #tpu.memory_space<hbm>>
      %dma_start3A_34 = tpu.memref_squeeze %dma_start3A_33 : memref<1x128xf32, #tpu.memory_space<hbm>> -> memref<128xf32, #tpu.memory_space<hbm>>
      %dma_start3A_35 = tpu.memref_slice %arg6[%run_scoped3A, %mul3A_2] : memref<2x4096xf32, #tpu.memory_space<hbm>> -> memref<1x128xf32, #tpu.memory_space<hbm>>
      %dma_start3A_36 = tpu.memref_squeeze %dma_start3A_35 : memref<1x128xf32, #tpu.memory_space<hbm>> -> memref<128xf32, #tpu.memory_space<hbm>>
      %dma_start3A_37 = arith.constant 0 : i32
      %dma_start3A_38 = tpu.memref_slice %arg13[%dma_start3A_37] : memref<256xf32, #tpu.memory_space<vmem>> -> memref<128xf32, #tpu.memory_space<vmem>>
      tpu.enqueue_dma source(%dma_start3A_38 : memref<128xf32, #tpu.memory_space<vmem>>) target(%dma_start3A_36 : memref<128xf32, #tpu.memory_space<hbm>>) target_semaphore(%run_scoped3A_30 : memref<!tpu.dma_semaphore, #tpu.memory_space<semaphore_mem>>)
      %dma_wait3A = arith.constant 0 : i32
      %dma_wait3A_39 = tpu.memref_slice %arg13[%dma_wait3A] : memref<256xf32, #tpu.memory_space<vmem>> -> memref<128xf32, #tpu.memory_space<vmem>>
      %dma_wait3A_40 = tpu.memref_slice %arg6[%run_scoped3A, %mul3A_2] : memref<2x4096xf32, #tpu.memory_space<hbm>> -> memref<1x128xf32, #tpu.memory_space<hbm>>
      %dma_wait3A_41 = tpu.memref_squeeze %dma_wait3A_40 : memref<1x128xf32, #tpu.memory_space<hbm>> -> memref<128xf32, #tpu.memory_space<hbm>>
      %dma_wait3A_42 = tpu.memref_slice %arg6[%run_scoped3A, %mul3A_2] : memref<2x4096xf32, #tpu.memory_space<hbm>> -> memref<1x128xf32, #tpu.memory_space<hbm>>
      %dma_wait3A_43 = tpu.memref_squeeze %dma_wait3A_42 : memref<1x128xf32, #tpu.memory_space<hbm>> -> memref<128xf32, #tpu.memory_space<hbm>>
      %dma_wait3A_44 = arith.constant 0 : i32
      %dma_wait3A_45 = tpu.memref_slice %arg13[%dma_wait3A_44] : memref<256xf32, #tpu.memory_space<vmem>> -> memref<128xf32, #tpu.memory_space<vmem>>
      tpu.wait_dma2 semaphore(%run_scoped3A_30 : memref<!tpu.dma_semaphore, #tpu.memory_space<semaphore_mem>>) src(%dma_wait3A_45 : memref<128xf32, #tpu.memory_space<vmem>>) dst(%dma_wait3A_43 : memref<128xf32, #tpu.memory_space<hbm>>)
      tpu.yield
    }) : () -> ()
    %run_scoped3A_29 = arith.constant 1 : i32
    "tpu.region"() ({
      %run_scoped3A_30 = tpu.sem_alloc : memref<!tpu.dma_semaphore, #tpu.memory_space<semaphore_mem>>
      %dma_start3A_31 = arith.constant 128 : i32
      %dma_start3A_32 = tpu.memref_slice %arg13[%dma_start3A_31] : memref<256xf32, #tpu.memory_space<vmem>> -> memref<128xf32, #tpu.memory_space<vmem>>
      %dma_start3A_33 = tpu.memref_slice %arg6[%run_scoped3A_29, %mul3A_2] : memref<2x4096xf32, #tpu.memory_space<hbm>> -> memref<1x128xf32, #tpu.memory_space<hbm>>
      %dma_start3A_34 = tpu.memref_squeeze %dma_start3A_33 : memref<1x128xf32, #tpu.memory_space<hbm>> -> memref<128xf32, #tpu.memory_space<hbm>>
      %dma_start3A_35 = tpu.memref_slice %arg6[%run_scoped3A_29, %mul3A_2] : memref<2x4096xf32, #tpu.memory_space<hbm>> -> memref<1x128xf32, #tpu.memory_space<hbm>>
      %dma_start3A_36 = tpu.memref_squeeze %dma_start3A_35 : memref<1x128xf32, #tpu.memory_space<hbm>> -> memref<128xf32, #tpu.memory_space<hbm>>
      %dma_start3A_37 = arith.constant 128 : i32
      %dma_start3A_38 = tpu.memref_slice %arg13[%dma_start3A_37] : memref<256xf32, #tpu.memory_space<vmem>> -> memref<128xf32, #tpu.memory_space<vmem>>
      tpu.enqueue_dma source(%dma_start3A_38 : memref<128xf32, #tpu.memory_space<vmem>>) target(%dma_start3A_36 : memref<128xf32, #tpu.memory_space<hbm>>) target_semaphore(%run_scoped3A_30 : memref<!tpu.dma_semaphore, #tpu.memory_space<semaphore_mem>>)
      %dma_wait3A = arith.constant 128 : i32
      %dma_wait3A_39 = tpu.memref_slice %arg13[%dma_wait3A] : memref<256xf32, #tpu.memory_space<vmem>> -> memref<128xf32, #tpu.memory_space<vmem>>
      %dma_wait3A_40 = tpu.memref_slice %arg6[%run_scoped3A_29, %mul3A_2] : memref<2x4096xf32, #tpu.memory_space<hbm>> -> memref<1x128xf32, #tpu.memory_space<hbm>>
      %dma_wait3A_41 = tpu.memref_squeeze %dma_wait3A_40 : memref<1x128xf32, #tpu.memory_space<hbm>> -> memref<128xf32, #tpu.memory_space<hbm>>
      %dma_wait3A_42 = tpu.memref_slice %arg6[%run_scoped3A_29, %mul3A_2] : memref<2x4096xf32, #tpu.memory_space<hbm>> -> memref<1x128xf32, #tpu.memory_space<hbm>>
      %dma_wait3A_43 = tpu.memref_squeeze %dma_wait3A_42 : memref<1x128xf32, #tpu.memory_space<hbm>> -> memref<128xf32, #tpu.memory_space<hbm>>
      %dma_wait3A_44 = arith.constant 128 : i32
      %dma_wait3A_45 = tpu.memref_slice %arg13[%dma_wait3A_44] : memref<256xf32, #tpu.memory_space<vmem>> -> memref<128xf32, #tpu.memory_space<vmem>>
      tpu.wait_dma2 semaphore(%run_scoped3A_30 : memref<!tpu.dma_semaphore, #tpu.memory_space<semaphore_mem>>) src(%dma_wait3A_45 : memref<128xf32, #tpu.memory_space<vmem>>) dst(%dma_wait3A_43 : memref<128xf32, #tpu.memory_space<hbm>>)
      tpu.yield
    }) : () -> ()
    return
  }
}

module attributes {stable_mosaic.version = 14 : i64} {
  func.func @_weights_body(%arg0: memref<4096x1xf32, #tpu.memory_space<vmem>>, %arg1: memref<4096x16xf32, #tpu.memory_space<vmem>>, %arg2: memref<4096x16xf32, #tpu.memory_space<vmem>>) attributes {dimension_semantics = [], scalar_prefetch = 0 : i64, scratch_operands = 0 : i64, tpu.core_type = #tpu.core_type<tc>} {
    %get3A = arith.constant 0 : index
    %get3A_0 = arith.constant 0 : index
    %get3A_1 = vector.load %arg0[%get3A, %get3A_0] : memref<4096x1xf32, #tpu.memory_space<vmem>>, vector<4096x1xf32>
    %max3A = arith.constant 0.000000e+00 : f32
    %max3A_2 = vector.broadcast %max3A : f32 to vector<4096x1xf32>
    %max3A_3 = arith.maximumf %get3A_1, %max3A_2 : vector<4096x1xf32>
    %abs3A = math.absf %get3A_1 : vector<4096x1xf32>
    %neg3A = arith.constant 0.000000e+00 : f32
    %neg3A_4 = vector.broadcast %neg3A : f32 to vector<4096x1xf32>
    %neg3A_5 = arith.subf %neg3A_4, %abs3A : vector<4096x1xf32>
    %exp3A = math.exp %neg3A_5 : vector<4096x1xf32>
    %log1p3A = math.log1p %exp3A : vector<4096x1xf32>
    %add3A = arith.addf %max3A_3, %log1p3A : vector<4096x1xf32>
    %iota3A = tpu.iota {dimensions = array<i32: 1>} : vector<4096x16xi32>
    %convert_element_type3A = arith.sitofp %iota3A : vector<4096x16xi32> to vector<4096x16xf32>
    %neg3A_6 = arith.constant 0.000000e+00 : f32
    %neg3A_7 = vector.broadcast %neg3A_6 : f32 to vector<4096x1xf32>
    %neg3A_8 = arith.subf %neg3A_7, %add3A : vector<4096x1xf32>
    %mul3A = arith.constant 2.048000e+03 : f32
    %mul3A_9 = vector.broadcast %mul3A : f32 to vector<4096x1xf32>
    %mul3A_10 = arith.mulf %neg3A_8, %mul3A_9 : vector<4096x1xf32>
    %exp3A_11 = math.exp %mul3A_10 : vector<4096x1xf32>
    %sub3A = arith.constant 1.000000e+00 : f32
    %sub3A_12 = vector.broadcast %sub3A : f32 to vector<4096x1xf32>
    %sub3A_13 = arith.subf %exp3A_11, %sub3A_12 : vector<4096x1xf32>
    %neg3A_14 = arith.constant 0.000000e+00 : f32
    %neg3A_15 = vector.broadcast %neg3A_14 : f32 to vector<4096x1xf32>
    %neg3A_16 = arith.subf %neg3A_15, %add3A : vector<4096x1xf32>
    %exp3A_17 = math.exp %neg3A_16 : vector<4096x1xf32>
    %sub3A_18 = arith.constant 1.000000e+00 : f32
    %sub3A_19 = vector.broadcast %sub3A_18 : f32 to vector<4096x1xf32>
    %sub3A_20 = arith.subf %exp3A_17, %sub3A_19 : vector<4096x1xf32>
    %div3A = arith.divf %sub3A_13, %sub3A_20 : vector<4096x1xf32>
    %add3A_21 = arith.constant 9.99999993E-9 : f32
    %add3A_22 = vector.broadcast %add3A_21 : f32 to vector<4096x1xf32>
    %add3A_23 = arith.addf %div3A, %add3A_22 : vector<4096x1xf32>
    %rsqrt3A = math.rsqrt %add3A_23 : vector<4096x1xf32>
    %neg3A_24 = arith.constant 0.000000e+00 : f32
    %neg3A_25 = vector.broadcast %neg3A_24 : f32 to vector<4096x1xf32>
    %neg3A_26 = arith.subf %neg3A_25, %add3A : vector<4096x1xf32>
    %sub3A_27 = arith.constant 1.500000e+01 : f32
    %sub3A_28 = vector.broadcast %sub3A_27 : f32 to vector<4096x16xf32>
    %sub3A_29 = arith.subf %sub3A_28, %convert_element_type3A : vector<4096x16xf32>
    %mul3A_30 = vector.broadcast %neg3A_26 : vector<4096x1xf32> to vector<4096x16xf32>
    %mul3A_31 = arith.mulf %mul3A_30, %sub3A_29 : vector<4096x16xf32>
    %exp3A_32 = math.exp %mul3A_31 : vector<4096x16xf32>
    %mul3A_33 = vector.broadcast %rsqrt3A : vector<4096x1xf32> to vector<4096x16xf32>
    %mul3A_34 = arith.mulf %exp3A_32, %mul3A_33 : vector<4096x16xf32>
    %swap3A = arith.constant 0 : index
    %swap3A_35 = arith.constant 0 : index
    %swap3A_36 = vector.load %arg1[%swap3A, %swap3A_35] : memref<4096x16xf32, #tpu.memory_space<vmem>>, vector<4096x16xf32>
    tpu.vector_store %arg1[%swap3A, %swap3A_35], %mul3A_34 {strides = array<i32>} : memref<4096x16xf32, #tpu.memory_space<vmem>>, vector<4096x16xf32>,
    %mul3A_37 = arith.constant -1.600000e+01 : f32
    %mul3A_38 = vector.broadcast %mul3A_37 : f32 to vector<4096x1xf32>
    %mul3A_39 = arith.mulf %mul3A_38, %add3A : vector<4096x1xf32>
    %exp3A_40 = math.exp %mul3A_39 : vector<4096x1xf32>
    %broadcast_in_dim3A = vector.shape_cast %exp3A_40 : vector<4096x1xf32> to vector<4096x1xf32>
    %broadcast_in_dim3A_41 = vector.broadcast %broadcast_in_dim3A : vector<4096x1xf32> to vector<4096x16xf32>
    %swap3A_42 = arith.constant 0 : index
    %swap3A_43 = arith.constant 0 : index
    %swap3A_44 = vector.load %arg2[%swap3A_42, %swap3A_43] : memref<4096x16xf32, #tpu.memory_space<vmem>>, vector<4096x16xf32>
    tpu.vector_store %arg2[%swap3A_42, %swap3A_43], %broadcast_in_dim3A_41 {strides = array<i32>} : memref<4096x16xf32, #tpu.memory_space<vmem>>, vector<4096x16xf32>,
    return
  }
}

</mosaic_0001>

<sc_bundles>
// kernel: kernel.4.cloned.1.call-start
scs
__scs_entry_jumppad:
0x0: {  	(pc) =	sbr.rel $0x88, $3  }
0x1: {  	(tag) =	ssettag $0x0;
	lr =	simm.s32 $0x1  }
0x2: {  	[smem:$0x3F9D] =	sst lr;
	_ =	strace $0xD0000000  }
0x3: {  	_ = 	snop  }
0x4: {  	_ = 	snop  }
0x5: {  	_ = 	snop  }
0x6: {  	_ = 	snop  }
0x7: {  	_ = 	snop  }
__scs_overlays_trampoline_lowered:
0x8: {  	[smem:$0x3FAC] =	sst s0  }
0x9: {  	[smem:$0x3FAD] =	sst s1  }
0xa: {  	[smem:$0x3FAE] =	sst s2  }
0xb: {  	[smem:$0x3FAF] =	sst s3  }
0xc: {  	[smem:$0x3FB0] =	sst s4  }
0xd: {  	[smem:$0x3FB1] =	sst s5  }
0xe: {  	[smem:$0x3FB2] =	sst s6  }
0xf: {  	[smem:$0x3FB3] =	sst s7  }
0x10: {  	[smem:$0x3FB4] =	sst s8  }
0x11: {  	[smem:$0x3FB5] =	sst s9;
	s0 =	simm.s32 @!p0 $0x0  }
0x12: {  	s1 =	sld [smem:$0x3F9B];
	s0 =	simm.s32 @p0 $0x1  }
0x13: {  	[smem:$0x3FB6] =	sst s0;
	s0 =	simm.s32 @!p1 $0x0  }
0x14: {  	s2 =	sld [smem:$0x3F9A];
	s0 =	simm.s32 @p1 $0x1  }
0x15: {  	[smem:$0x3FB7] =	sst s0;
	s0 =	simm.s32 @!p2 $0x0  }
0x16: {  	s3 =	sld [smem:$0x3FDB];
	s0 =	simm.s32 @p2 $0x1  }
0x17: {  	s4 =	simm.s32 $0x1BF5;
	[smem:$0x3FB9] =	sst s0  }
0x18: {  	s0 =	sld [smem:$0x3F9C];
	_ =	swait.ge [sflag:s4], $0x0  }
0x19: {  	s7 =	sld [smem:$0x3F9D]  }
0x1a: {  	s8 =	sadd.s32 $0xFFFFE003, lr  }
0x1b: {  	s9 =	sadd.s32 $0xFFFFFEF7, lr;
	s5 =	simm.s32 $0xFFFFFFFF;
	p2 =	slt.u32 s8, $0xFFFFF086  }
0x1c: {  	p1 =	slt.u32 s9, $0xF7A;
	s5 =	simm.s32 @!p2 $0x0  }
0x1d: {  	s5 =	simm.s32 @p1 $0x1;
	p0 =	seq.s32 s7, s2  }
0x1e: {  	s7 =	smul.u32 @!p0 $0xF7A, s2;
	p2 =	seq.s32 @!p0 s5, $0x0  }
0x1f: {  	s9 =	smul.u32 $0xF7A, s1;
	s8 =	simm.s32 @!p0 $0x1BF5;
	p2 =	por !p2, p0  }
0x20: {  	[sflag:s8] =	ssyncset.s32 @!p0 $0xFFFFF086;
	s6 =	sadd.s32 @!p0 s3, s7;
	s7 =	simm.s32 @!p0 $0x108  }
0x21: {  	s3 =	sadd.s32 s3, s9;
	s6 =	sadd.s32 @!p0 $0x88, s6;
	s7 =	simm.s32 @p2 $0x1082  }
0x22: {  	[simem:s7], [sflag:s8] =	dma.local @!p0 [hbm:s6], $0xF7A  }
0x23: {  	s9 =	sor.u32 $0xD0000000, s2;
	s6 =	simm.s32 $0x108;
	_ =	swait.ge @!p0 [sflag:s8], $0x0  }
0x24: {  	s3 =	sadd.s32 $0x88, s3;
	s6 =	simm.s32 @!p1 $0x1082;
	[sflag:s4] =	ssyncset.s32 $0xFFFFF086  }
0x25: {  	[simem:s6], [sflag:s4] =	dma.local [hbm:s3], $0xF7A  }
0x26: {  	[smem:$0x3F9D] =	sst s1;
	(tag) =	ssettag s2;
	_ =	strace s9  }
0x27: {  	s1 =	sld [smem:$0x3FAD]  }
0x28: {  	s2 =	sld [smem:$0x3FAE]  }
0x29: {  	s4 =	sld [smem:$0x3FB0]  }
0x2a: {  	p0 =	seq.s32 s5, $0x0;
	s5 =	sld [smem:$0x3FB1]  }
0x2b: {  	s6 =	sld [smem:$0x3FB2]  }
0x2c: {  	s7 =	sld [smem:$0x3FB3]  }
0x2d: {  	s3 =	simm.s32 $0x108;
	s8 =	sld [smem:$0x3FB4]  }
0x2e: {  	s3 =	simm.s32 @!p0 $0x1082;
	s9 =	sld [smem:$0x3FB5]  }
0x2f: {  	lr =	sadd.s32 s0, s3;
	s0 =	sld [smem:$0x3FAC]  }
0x30: {  	s3 =	sld [smem:$0x3FAF]  }
0x31: {  	[smem:$0x3FB8] =	sst s10  }
0x32: {  	s10 =	sld [smem:$0x3FB6];
	_ =	sdelay $0x3  }
0x33: {  	p0 =	seq.s32 s10, $0x1;
	s10 =	sld [smem:$0x3FB8];
	_ =	sdelay $0x3  }
0x34: {  	[smem:$0x3FB8] =	sst s10  }
0x35: {  	s10 =	sld [smem:$0x3FB7];
	_ =	sdelay $0x3  }
0x36: {  	p1 =	seq.s32 s10, $0x1;
	s10 =	sld [smem:$0x3FB8];
	_ =	sdelay $0x3  }
0x37: {  	[smem:$0x3FB8] =	sst s10  }
0x38: {  	s10 =	sld [smem:$0x3FB9]  }
0x39: {  	_ = 	snop;
	(pc) =	sbr.ind lr, $3  }
0x3a: {  	_ = 	snop  }
0x3b: {  	_ = 	snop  }
0x3c: {  	p2 =	seq.s32 s10, $0x1;
	s10 =	sld [smem:$0x3FB8]  }
0x3d: {  	_ =	shalt  }
0x3e: {  	_ =	shalt  }
0x3f: {  	_ =	shalt  }
0x40: {  	_ =	shalt  }
0x41: {  	_ =	shalt  }
0x42: {  	_ =	shalt  }
0x43: {  	_ =	shalt  }
0x44: {  	_ =	shalt  }
0x45: {  	_ =	shalt  }
0x46: {  	_ =	shalt  }
0x47: {  	_ =	shalt  }
0x48: {  	_ =	shalt  }
0x49: {  	_ =	shalt  }
0x4a: {  	_ =	shalt  }
0x4b: {  	_ =	shalt  }
0x4c: {  	_ =	shalt  }
0x4d: {  	_ =	shalt  }
0x4e: {  	_ =	shalt  }
0x4f: {  	_ =	shalt  }
0x50: {  	_ =	shalt  }
0x51: {  	_ =	shalt  }
0x52: {  	_ =	shalt  }
0x53: {  	_ =	shalt  }
0x54: {  	_ =	shalt  }
0x55: {  	_ =	shalt  }
0x56: {  	_ =	shalt  }
0x57: {  	_ =	shalt  }
0x58: {  	_ =	shalt  }
0x59: {  	_ =	shalt  }
0x5a: {  	_ =	shalt  }
0x5b: {  	_ =	shalt  }
0x5c: {  	_ =	shalt  }
0x5d: {  	_ =	shalt  }
0x5e: {  	_ =	shalt  }
0x5f: {  	_ =	shalt  }
0x60: {  	_ =	shalt  }
0x61: {  	_ =	shalt  }
0x62: {  	_ =	shalt  }
0x63: {  	_ =	shalt  }
0x64: {  	_ =	shalt  }
0x65: {  	_ =	shalt  }
0x66: {  	_ =	shalt  }
0x67: {  	_ =	shalt  }
0x68: {  	_ =	shalt  }
0x69: {  	_ =	shalt  }
0x6a: {  	_ =	shalt  }
0x6b: {  	_ =	shalt  }
0x6c: {  	_ =	shalt  }
0x6d: {  	_ =	shalt  }
0x6e: {  	_ =	shalt  }
0x6f: {  	_ =	shalt  }
0x70: {  	_ =	shalt  }
0x71: {  	_ =	shalt  }
0x72: {  	_ =	shalt  }
0x73: {  	_ =	shalt  }
0x74: {  	_ =	shalt  }
0x75: {  	_ =	shalt  }
0x76: {  	_ =	shalt  }
0x77: {  	_ =	shalt  }
0x78: {  	_ =	shalt  }
0x79: {  	_ =	shalt  }
0x7a: {  	_ =	shalt  }
0x7b: {  	_ =	shalt  }
0x7c: {  	_ =	shalt  }
0x7d: {  	_ =	shalt  }
0x7e: {  	_ =	shalt  }
0x7f: {  	_ =	shalt  }
0x80: {  	_ =	shalt  }
0x81: {  	_ =	shalt  }
0x82: {  	_ =	shalt  }
0x83: {  	_ =	shalt  }
0x84: {  	_ =	shalt  }
0x85: {  	_ =	shalt  }
0x86: {  	_ =	shalt  }
0x87: {  	_ =	shalt  }
.Lfunc_end0:
.L_simem_size_0:
called_computation.1_lowered:
.L_overlay_start_0:
0x88: {  	s2 =	sld [smem:$0x3FD9]  }
0x89: {  	s3 =	sld [smem:$0x3FFE];
	_ =	sdelay $0x1  }
0x8a: {  	s1 =	srdreg.scid  }
0x8b: {  	s0 =	sand.u32 $0x1, s1  }
0x8c: {  	s17 =	sshll.u32 s0, $0xA;
	s2 =	sadd.s32 s3, s2  }
0x8d: {  	s2 =	sadd.s32 s2, s17  }
0x8e: {  	[smem:$0x3FC4] =	sst s2  }
0x8f: {  	_ = 	snop  }
0x90: {  	s2 =	sld [smem:$0x3FD0];
	(tm) =	ssettm $0x1  }
0x91: {  	s18 =	sld [smem:$0x3FFB];
	_ =	sdelay $0x3  }
0x92: {  	_ =	strace s18  }
0x93: {  	s3 =	sld [smem:$0x3FFC];
	_ =	sdelay $0x3  }
0x94: {  	_ =	strace s3  }
0x95: {  	s3 =	sld [smem:$0x3FFD];
	_ =	sdelay $0x3  }
0x96: {  	_ =	strace s3  }
0x97: {  	_ =	strace $0x8FFFFFFF  }
0x98: {  	s19 =	sld [smem:$0x3FDB];
	_ =	sdelay $0x1  }
0x99: {  	s4 =	simm.s32 $_scs_section_size  }
0x9a: {  	s5 =	simm.s32 $_size__tile_overlayer_lowered;
	s6 =	simm.s32 $_tile_overlayer_lowered  }
0x9b: {  	s22 =	simm.s32 $0x1BFF;
	s21 =	sshll.u32 s6, $0x1;
	s3 =	sadd.s32 s4, s19  }
0x9c: {  	s7 =	simm.s32 $0x0;
	s20 =	sshll.u32 s5, $0x1;
	s5 =	sadd.s32 s21, s3  }
0x9d: {  	[timem:s7], [sflag:s22] =	dma.local [hbm:s5], s20  }
0x9e: {  	_ =	swait.ge [sflag:s22], s20  }
0x9f: {  	s4 =	ssub.s32 $0x0, s20;
	[sflag:s22] =	ssyncset.done $0x0  }
0xa0: {  	[sflag:s22] =	ssyncadd.s32 s4;
	_ =	sdelay $0x1  }
0xa1: {  	s23 =	simm.s32 $0x1B8B  }
0xa2: {  	_ =	swait.ge [sflag:s23], $0x1  }
0xa3: {  	[sflag:s23] =	ssyncset.done $0x0  }
0xa4: {  	s25 =	simm.s32 $0x1B8E;
	s24 =	sld [smem:$0x3FFE];
	[sflag:s23] =	ssyncadd.s32 $0xFFFFFFFF  }
0xa5: {  	s26 =	simm.s32 $execute0_lowered;
	[smem:$0x3FD2] =	sst s25  }
0xa6: {  	s5 =	sshll.u32 s26, $0x1;
	_ =	strace $0x80000049;
	[dreg:$0x1] =	wrdreg $0xFFFFFFFF  }
0xa7: {  	s28 =	simm.s32 $_size_execute0_lowered;
	s3 =	sadd.s32 s3, s5;
	[dreg:$0x0] =	wrdreg $0x0  }
0xa8: {  	s5 =	sshll.u32 s28, $0x1;
	[dreg:$0x2] =	wrdreg s3  }
0xa9: {  	[dreg:$0x3] =	wrdreg s5  }
0xaa: {  	[dreg:$0x4] =	wrdreg $0xC0  }
0xab: {  	_ =	task [dreg:s7], $0x5FFFF  }
0xac: {  	[dreg:$0x1] =	wrdreg $0xFFFFFFFF  }
0xad: {  	[dreg:$0x0] =	wrdreg $0x60  }
0xae: {  	[dreg:$0x2] =	wrdreg s24  }
0xaf: {  	[dreg:$0x3] =	wrdreg s2  }
0xb0: {  	[dreg:$0x4] =	wrdreg $0x9  }
0xb1: {  	_ =	task.clear_ibuf [dreg:s7], $0x5FFFF;
	_ =	strace $0x90000049  }
0xb2: {  	s29 =	simm.s32 $0x9;
	_ =	strace $0x8000004B  }
0xb3: {  	_ =	swait.ge [sflag:s29], $0x1  }
0xb4: {  	[sflag:s29] =	ssyncadd.s32 $0xFFFFFFFF  }
0xb5: {  	_ =	strace $0x9000004B  }
0xb6: {  	_ =	sfence  }
0xb7: {  	s30 =	sld [smem:$0x0];
	_ =	sdelay $0x2  }
0xb8: {  	s31 =	sshll.u32 s1, $0xD;
	s1 =	sshrl.u32 s1, $0x2  }
0xb9: {  	s3 =	sand.u32 $0x4000, s31;
	s1 =	sadd.s32 s1, s30  }
0xba: {  	s0 =	sor.u32 s3, s0;
	s1 =	sshll.u32 s1, $0x11  }
0xbb: {  	s0 =	sor.u32 s1, s0  }
0xbc: {  	s0 =	sadd.s32 $0x8F2B, s0  }
0xbd: {  	[sflag:s0] =	ssyncadd.remote.s32 $0x1  }
0xbe: {  	_ =	sfence.sel $0xFFFF  }
0xbf: {  	[dreg:$0x0] =	wrdreg $0xFFFFFFFF;
	(pc) =	sbr.abs _section_cstart, $3  }
0xc0: {  	[dreg:$0x1] =	wrdreg $0xFFFFFFFF  }
0xc1: {  	_ =	task.clear_ibuf [dreg:s7], $0x2FFFF;
	_ =	strace $0x9FFFFFFF  }
0xc2: {  	(tm) =	ssettm $0x7FFFFFFF  }
0xc3: {  	_ =	shalt  }
tec
execute0_lowered:
.L_overlay_start_1:
0x0: {  	(tag) =	ssettag $0x1  }
0x1: {  	s0 =	rddreg [dreg:$0x0]  }
0x2: {  	s1 =	rddreg [dreg:$0x1];
	s2 =	simm.s32 $0x0;
	s3 =	srdreg.scid  }
0x3: {  	s5 =	stileid.u32;
	s15 =	simm.s32 $0x11200;
	[smem:$0x7FF] =	sst s2  }
0x4: {  	s4 =	sand.u32 $0x1, s3;
	s20 =	sshll.u32 s5, $0x1;
	s24 =	sadd.s32 $0x1100, s0  }
0x5: {  	s25 =	sadd.s32 $0x1200, s0;
	_ =	strace $0x8000004A;
	[dreg:$0x8] =	wrdreg s24  }
0x6: {  	s10 =	sadd.s32 $0x1000, s0;
	s26 =	sadd.s32 $0x1300, s0;
	[dreg:$0x9] =	wrdreg s25  }
0x7: {  	s28 =	sadd.s32 $0x1400, s0;
	s29 =	sadd.s32 $0x1500, s0;
	[dreg:$0xa] =	wrdreg s26  }
0x8: {  	s13 =	sadd.s32 $0x1600, s0;
	s5 =	sor.u32 s4, s20;
	[dreg:$0xb] =	wrdreg s28  }
0x9: {  	s6 =	sshll.u32 s5, $0x8;
	s7 =	sshll.u32 s5, $0x6;
	s5 =	sshll.u32 s5, $0x5  }
0xa: {  	[dreg:$0xc] =	wrdreg s29;
	s6 =	sadd.s32 s6, s0;
	s1 =	sadd.s32 s1, s5  }
0xb: {  	s7 =	sadd.s32 s7, s0;
	s21 =	sadd.s32 $0x101800, s6;
	[dreg:$0xd] =	wrdreg s1  }
0xc: {  	s4 =	ssub.s32 $0x2, s4;
	s22 =	sadd.s32 $0x101000, s7;
	[dreg:$0x5] =	wrdreg s21  }
0xd: {  	s8 =	sshrl.u32 s4, $0x1;
	s23 =	sadd.s32 $0x103800, s6;
	[dreg:$0x6] =	wrdreg s22  }
0xe: {  	v3 =	vlaneseq.u32;
	s4 =	ssub.s32 s4, s8;
	s30 =	sadd.s32 $0x10, s1;
	[dreg:$0x7] =	wrdreg s23  }
0xf: {  	vm0 =	vmmov $0xffff;
	s14 =	sadd.s32 $0x1700, s0;
	v1 =	vshrl.u32 v3, $0x3;
	v0 =	vand.u32 $0x7, v3;
	s31 =	smax.u32 s4, $0x1;
	[dreg:$0xe] =	wrdreg s30  }
0x10: {  	v2 =	vor.u32 $0x8, v3;
	v3 =	vmul.u32 $0x10, v3;
	s3 =	simm.s32 $0x0;
	v1 =	vmul.u32 $0x8, v1;
	s1 =	simm.s32 $0x3;
	[dreg:$0xf] =	wrdreg s31  }
.LBB2_1:
0x11: {  	[dreg:$0x10] =	wrdreg s3  }
0x12: {  	s0 =	rddreg [dreg:$0x6]  }
0x13: {  	[tilespmem:s2], [sflag:$0x3] =	stream.linear.gather [hbm4b:s0+s2], $0x200, $0x38;
	[tilespmem:$0x12300] =	vst v63  }
0x14: {  	_ =	swait.ge [sflag:s1], $0x200  }
0x15: {  	[sflag:s1] =	ssyncset.done $0x0  }
0x16: {  	s19 =	simm.s32 $0x200;
	s18 =	rddreg [dreg:$0x5];
	[sflag:s1] =	ssyncadd.s32 $0xFFFFFE00  }
0x17: {  	[tilespmem:s19], [sflag:$0x3] =	stream.linear.gather [hbm4b:s18+s2], $0x800, $0x38;
	[tilespmem:$0x12300] =	vst v63  }
0x18: {  	_ =	swait.ge [sflag:s1], $0x800  }
0x19: {  	[sflag:s1] =	ssyncset.done $0x0  }
0x1a: {  	s21 =	simm.s32 $0xA00;
	s20 =	rddreg [dreg:$0x7];
	[sflag:s1] =	ssyncadd.s32 $0xFFFFF800  }
0x1b: {  	[tilespmem:s21], [sflag:$0x3] =	stream.linear.gather [hbm4b:s20+s2], $0x800, $0x38;
	[tilespmem:$0x12300] =	vst v63  }
0x1c: {  	_ =	swait.ge [sflag:s1], $0x800  }
0x1d: {  	[sflag:s1] =	ssyncset.done $0x0  }
0x1e: {  	[sflag:s1] =	ssyncadd.s32 $0xFFFFF800  }
0x1f: {  	v4 =	vld [tilespmem:$0x0];
	_ =	sdelay $0x4  }
0x20: {  	v5 =	vshll.u32 v4, $0x4  }
0x21: {  	v4 =	vand.u32 $0x7, v4;
	v5 =	vand.u32 $0xFFFFFF80, v5  }
0x22: {  	v4 =	vor.u32 v4, v5  }
0x23: {  	v5 =	vperm.xlane v4, v0;
	_ =	sdelay $0x1  }
0x24: {  	v5 =	vadd.s32 v1, v5;
	_ =	sdelay $0x3  }
0x25: {  	s22 =	simm.s32 $0x1200  }
0x26: {  	[tilespmem:s22], [sflag:$0x1] =	stream.indirect_vreg.gather [hbm4b:s10+s2], $0x80, v5, vm0, $0xb8;
	[tilespmem:$0x12300] =	vst v63  }
0x27: {  	s23 =	simm.s32 $0x1A00;
	s0 =	rddreg [dreg:$0x8]  }
0x28: {  	[tilespmem:s23], [sflag:$0x1] =	stream.indirect_vreg.gather [hbm4b:s0+s2], $0x80, v5, vm0, $0xb8;
	[tilespmem:$0x12300] =	vst v63  }
0x29: {  	s24 =	simm.s32 $0x2200;
	s1 =	rddreg [dreg:$0x9]  }
0x2a: {  	[tilespmem:s24], [sflag:$0x1] =	stream.indirect_vreg.gather [hbm4b:s1+s2], $0x80, v5, vm0, $0xb8;
	[tilespmem:$0x12300] =	vst v63  }
0x2b: {  	s4 =	simm.s32 $0x2A00;
	s3 =	rddreg [dreg:$0xa]  }
0x2c: {  	[tilespmem:s4], [sflag:$0x1] =	stream.indirect_vreg.gather [hbm4b:s3+s2], $0x80, v5, vm0, $0xb8;
	[tilespmem:$0x12300] =	vst v63  }
0x2d: {  	s5 =	simm.s32 $0x3200;
	s4 =	rddreg [dreg:$0xb]  }
0x2e: {  	[tilespmem:s5], [sflag:$0x1] =	stream.indirect_vreg.gather [hbm4b:s4+s2], $0x80, v5, vm0, $0xb8;
	[tilespmem:$0x12300] =	vst v63  }
0x2f: {  	s6 =	simm.s32 $0x3A00;
	v4 =	vperm.xlane v4, v2;
	s5 =	rddreg [dreg:$0xc]  }
0x30: {  	[tilespmem:s6], [sflag:$0x1] =	stream.indirect_vreg.gather [hbm4b:s5+s2], $0x80, v5, vm0, $0xb8;
	[tilespmem:$0x12300] =	vst v63  }
0x31: {  	s25 =	simm.s32 $0x4200;
	v4 =	vadd.s32 v1, v4  }
0x32: {  	[tilespmem:s25], [sflag:$0x1] =	stream.indirect_vreg.gather [hbm4b:s13+s2], $0x80, v5, vm0, $0xb8;
	[tilespmem:$0x12300] =	vst v63  }
0x33: {  	s26 =	simm.s32 $0x4A00  }
0x34: {  	[tilespmem:s26], [sflag:$0x1] =	stream.indirect_vreg.gather [hbm4b:s14+s2], $0x80, v5, vm0, $0xb8;
	[tilespmem:$0x12300] =	vst v63  }
0x35: {  	s28 =	simm.s32 $0x5200  }
0x36: {  	[tilespmem:s28], [sflag:$0x1] =	stream.indirect_vreg.gather [hbm4b:s10+s2], $0x80, v4, vm0, $0xb8;
	[tilespmem:$0x12300] =	vst v63  }
0x37: {  	s29 =	simm.s32 $0x5A00  }
0x38: {  	[tilespmem:s29], [sflag:$0x1] =	stream.indirect_vreg.gather [hbm4b:s0+s2], $0x80, v4, vm0, $0xb8;
	[tilespmem:$0x12300] =	vst v63  }
0x39: {  	s30 =	simm.s32 $0x6200  }
0x3a: {  	[tilespmem:s30], [sflag:$0x1] =	stream.indirect_vreg.gather [hbm4b:s1+s2], $0x80, v4, vm0, $0xb8;
	[tilespmem:$0x12300] =	vst v63  }
0x3b: {  	s31 =	simm.s32 $0x6A00  }
0x3c: {  	[tilespmem:s31], [sflag:$0x1] =	stream.indirect_vreg.gather [hbm4b:s3+s2], $0x80, v4, vm0, $0xb8;
	[tilespmem:$0x12300] =	vst v63  }
0x3d: {  	s7 =	simm.s32 $0x7200  }
0x3e: {  	[tilespmem:s7], [sflag:$0x1] =	stream.indirect_vreg.gather [hbm4b:s4+s2], $0x80, v4, vm0, $0xb8;
	[tilespmem:$0x12300] =	vst v63  }
0x3f: {  	s8 =	simm.s32 $0x7A00  }
0x40: {  	[tilespmem:s8], [sflag:$0x1] =	stream.indirect_vreg.gather [hbm4b:s5+s2], $0x80, v4, vm0, $0xb8;
	[tilespmem:$0x12300] =	vst v63  }
0x41: {  	s9 =	simm.s32 $0x8200  }
0x42: {  	[tilespmem:s9], [sflag:$0x1] =	stream.indirect_vreg.gather [hbm4b:s13+s2], $0x80, v4, vm0, $0xb8;
	[tilespmem:$0x12300] =	vst v63  }
0x43: {  	s11 =	simm.s32 $0x8A00  }
0x44: {  	[tilespmem:s11], [sflag:$0x1] =	stream.indirect_vreg.gather [hbm4b:s14+s2], $0x80, v4, vm0, $0xb8;
	[tilespmem:$0x12300] =	vst v63  }
0x45: {  	v4 =	vld [tilespmem:$0x10];
	_ =	sdelay $0x4  }
0x46: {  	v5 =	vshll.u32 v4, $0x4  }
0x47: {  	v4 =	vand.u32 $0x7, v4;
	v5 =	vand.u32 $0xFFFFFF80, v5  }
0x48: {  	v4 =	vor.u32 v4, v5  }
0x49: {  	v5 =	vperm.xlane v4, v0;
	_ =	sdelay $0x1  }
0x4a: {  	v5 =	vadd.s32 v1, v5;
	_ =	sdelay $0x3  }
0x4b: {  	s12 =	simm.s32 $0x9200  }
0x4c: {  	[tilespmem:s12], [sflag:$0x2] =	stream.indirect_vreg.gather [hbm4b:s10+s2], $0x80, v5, vm0, $0xb8;
	[tilespmem:$0x12300] =	vst v63  }
0x4d: {  	s16 =	simm.s32 $0x9A00  }
0x4e: {  	[tilespmem:s16], [sflag:$0x2] =	stream.indirect_vreg.gather [hbm4b:s0+s2], $0x80, v5, vm0, $0xb8;
	[tilespmem:$0x12300] =	vst v63  }
0x4f: {  	s17 =	simm.s32 $0xA200  }
0x50: {  	[tilespmem:s17], [sflag:$0x2] =	stream.indirect_vreg.gather [hbm4b:s1+s2], $0x80, v5, vm0, $0xb8;
	[tilespmem:$0x12300] =	vst v63  }
0x51: {  	s18 =	simm.s32 $0xAA00  }
0x52: {  	[tilespmem:s18], [sflag:$0x2] =	stream.indirect_vreg.gather [hbm4b:s3+s2], $0x80, v5, vm0, $0xb8;
	[tilespmem:$0x12300] =	vst v63  }
0x53: {  	s19 =	simm.s32 $0xB200  }
0x54: {  	[tilespmem:s19], [sflag:$0x2] =	stream.indirect_vreg.gather [hbm4b:s4+s2], $0x80, v5, vm0, $0xb8;
	[tilespmem:$0x12300] =	vst v63  }
0x55: {  	s20 =	simm.s32 $0xBA00;
	v4 =	vperm.xlane v4, v2  }
0x56: {  	[tilespmem:s20], [sflag:$0x2] =	stream.indirect_vreg.gather [hbm4b:s5+s2], $0x80, v5, vm0, $0xb8;
	[tilespmem:$0x12300] =	vst v63  }
0x57: {  	s21 =	simm.s32 $0xC200;
	v4 =	vadd.s32 v1, v4  }
0x58: {  	[tilespmem:s21], [sflag:$0x2] =	stream.indirect_vreg.gather [hbm4b:s13+s2], $0x80, v5, vm0, $0xb8;
	[tilespmem:$0x12300] =	vst v63  }
0x59: {  	s22 =	simm.s32 $0xCA00  }
0x5a: {  	[tilespmem:s22], [sflag:$0x2] =	stream.indirect_vreg.gather [hbm4b:s14+s2], $0x80, v5, vm0, $0xb8;
	[tilespmem:$0x12300] =	vst v63  }
0x5b: {  	s23 =	simm.s32 $0xD200  }
0x5c: {  	[tilespmem:s23], [sflag:$0x2] =	stream.indirect_vreg.gather [hbm4b:s10+s2], $0x80, v4, vm0, $0xb8;
	[tilespmem:$0x12300] =	vst v63  }
0x5d: {  	s24 =	simm.s32 $0xDA00  }
0x5e: {  	[tilespmem:s24], [sflag:$0x2] =	stream.indirect_vreg.gather [hbm4b:s0+s2], $0x80, v4, vm0, $0xb8;
	[tilespmem:$0x12300] =	vst v63  }
0x5f: {  	s25 =	simm.s32 $0xE200  }
0x60: {  	[tilespmem:s25], [sflag:$0x2] =	stream.indirect_vreg.gather [hbm4b:s1+s2], $0x80, v4, vm0, $0xb8;
	[tilespmem:$0x12300] =	vst v63  }
0x61: {  	s26 =	simm.s32 $0xEA00  }
0x62: {  	[tilespmem:s26], [sflag:$0x2] =	stream.indirect_vreg.gather [hbm4b:s3+s2], $0x80, v4, vm0, $0xb8;
	[tilespmem:$0x12300] =	vst v63  }
0x63: {  	s28 =	simm.s32 $0xF200  }
0x64: {  	[tilespmem:s28], [sflag:$0x2] =	stream.indirect_vreg.gather [hbm4b:s4+s2], $0x80, v4, vm0, $0xb8;
	[tilespmem:$0x12300] =	vst v63  }
0x65: {  	s29 =	simm.s32 $0xFA00  }
0x66: {  	[tilespmem:s29], [sflag:$0x2] =	stream.indirect_vreg.gather [hbm4b:s5+s2], $0x80, v4, vm0, $0xb8;
	[tilespmem:$0x12300] =	vst v63  }
0x67: {  	s30 =	simm.s32 $0x10200  }
0x68: {  	[tilespmem:s30], [sflag:$0x2] =	stream.indirect_vreg.gather [hbm4b:s13+s2], $0x80, v4, vm0, $0xb8;
	[tilespmem:$0x12300] =	vst v63  }
0x69: {  	s31 =	simm.s32 $0x10A00;
	s12 =	simm.s32 $0x0  }
0x6a: {  	[tilespmem:s31], [sflag:$0x2] =	stream.indirect_vreg.gather [hbm4b:s14+s2], $0x80, v4, vm0, $0xb8;
	[tilespmem:$0x12300] =	vst v63  }
.LBB2_2:
0x6b: {  	s1 =	simm.s32 $0x1  }
0x6c: {  	s16 =	sshll.u32 s12, $0x7;
	_ =	swait.ge [sflag:s1], $0x8000  }
0x6d: {  	s0 =	sadd.s32 $0x11A00, s16;
	[sflag:s1] =	ssyncset.done $0x0  }
0x6e: {  	s17 =	simm.s32 $0x0;
	s21 =	simm.s32 $0x0;
	v4 =	vmov s0;
	[sflag:s1] =	ssyncadd.s32 $0xFFFF8000  }
.LBB2_3:
0x6f: {  	s0 =	sshll.u32 s21, $0x9;
	s22 =	sshll.u32 s21, $0xD  }
0x70: {  	s22 =	sand.u32 $0x4000, s22;
	s0 =	sand.u32 $0x200, s0  }
0x71: {  	s0 =	sor.u32 s0, s22  }
0x72: {  	s0 =	sadd.s32 $0x1200, s0  }
0x73: {  	s22 =	sshll.u32 s21, $0x4;
	[dreg:$0x3] =	wrdreg s0  }
0x74: {  	s24 =	sand.u32 $0x3C00, s17;
	s23 =	sor.u32 s16, s22;
	s0 =	rddreg [dreg:$0x3]  }
0x75: {  	s26 =	sand.u32 $0x40, s17;
	v5 =	vld [tilespmem:s23+$0xA00];
	s0 =	sadd.s32 s24, s0  }
0x76: {  	s1 =	sor.u32 $0x20, s26;
	v6 =	vld [tilespmem:s23+$0x200];
	s25 =	sadd.s32 s26, s0  }
0x77: {  	s31 =	sor.u32 $0x10, s26;
	s9 =	sadd.s32 s1, s0;
	v15 =	vld [tilespmem:s25+$0x0]  }
0x78: {  	s18 =	sor.u32 $0x30, s26;
	s19 =	sadd.s32 s31, s0;
	v9 =	vld [tilespmem:s9+$0x0]  }
0x79: {  	s28 =	sadd.s32 $0x180, s0;
	s20 =	sadd.s32 s18, s0;
	v14 =	vld [tilespmem:s19+$0x0]  }
0x7a: {  	s29 =	sadd.s32 $0x80, s0;
	s7 =	sadd.s32 s26, s28;
	v11 =	vld [tilespmem:s20+$0x0]  }
0x7b: {  	s8 =	sadd.s32 s31, s29;
	v10 =	vld [tilespmem:s7+$0x0]  }
0x7c: {  	s11 =	sadd.s32 s18, s28;
	v8 =	vld [tilespmem:s8+$0x0];
	v7 =	vmul.f32 v5, v5  }
0x7d: {  	s24 =	simm.s32 $0x40;
	s0 =	sadd.s32 $0x100, s0;
	s30 =	sadd.s32 s26, s29;
	v13 =	vld [tilespmem:s11+$0x0]  }
0x7e: {  	v21 =	vimm.f32 $0.0e+00;
	v22 =	vimm.f32 $0.0e+00;
	s19 =	sadd.s32 s31, s28;
	s25 =	sadd.s32 s1, s29;
	s26 =	sadd.s32 s26, s0;
	v24 =	vld [tilespmem:s30+$0x0];
	v7 =	vmul.f32 v7, v7  }
0x7f: {  	v23 =	vimm.f32 $0.0e+00;
	v17 =	vimm.f32 $0.0e+00;
	v16 =	vimm.f32 $0.0e+00;
	s31 =	sadd.s32 s31, s0;
	s29 =	sadd.s32 s18, s29;
	s30 =	sadd.s32 s1, s28;
	v19 =	vld [tilespmem:s19+$0x0]  }
0x80: {  	v18 =	vimm.f32 $0.0e+00;
	v20 =	vimm.f32 $0.0e+00;
	s28 =	sadd.s32 s1, s0;
	s0 =	sadd.s32 s18, s0;
	v25 =	vld [tilespmem:s26+$0x0];
	s26 =	simm.s32 $0x0;
	v12 =	vmul.f32 v21, v7  }
.LBB2_4:
0x81: {  	v26 =	vld [tilespmem:s0+$0x0]  }
0x82: {  	s26 =	sadd.s32 $0x200, s26;
	v27 =	vld [tilespmem:s30+$0x0]  }
0x83: {  	s1 =	rddreg [dreg:$0x3];
	s9 =	smov.u32 s24;
	v23 =	vmul.f32 v23, v7;
	v28 =	vld [tilespmem:s29+$0x0];
	s18 =	sand.u32 $0x3C00, s26  }
0x84: {  	v29 =	vld [tilespmem:s28+$0x0];
	v18 =	vmul.f32 v18, v7;
	v21 =	vmul.f32 v21, v7;
	s0 =	sand.u32 $0x40, s9;
	s1 =	sadd.s32 s18, s1  }
0x85: {  	v17 =	vmul.f32 v17, v7;
	s29 =	sor.u32 $0x10, s0;
	s4 =	sor.u32 $0x30, s0;
	s19 =	sadd.s32 $0x180, s1;
	v15 =	vmul.f32 v24, v15;
	v24 =	vld [tilespmem:s31+$0x0]  }
0x86: {  	v30 =	vld [tilespmem:s25+$0x0];
	v16 =	vmul.f32 v16, v7;
	s3 =	sor.u32 $0x20, s0;
	s18 =	sadd.s32 $0x80, s1;
	v25 =	vmul.f32 v10, v25;
	s28 =	sadd.s32 s0, s19  }
0x87: {  	v20 =	vmul.f32 v20, v7;
	s11 =	sadd.s32 s0, s1;
	s5 =	sadd.s32 $0x100, s1;
	v14 =	vmul.f32 v8, v14;
	v10 =	vld [tilespmem:s28+$0x0];
	s28 =	sadd.s32 s29, s18  }
0x88: {  	s30 =	sadd.s32 s3, s1;
	s8 =	sadd.s32 s4, s1;
	s1 =	sadd.s32 s29, s1;
	v13 =	vmul.f32 v13, v26;
	v25 =	vmul.f32 v25, v6;
	v8 =	vld [tilespmem:s28+$0x0]  }
0x89: {  	v15 =	vmul.f32 v15, v6;
	v26 =	vmul.f32 v14, v6;
	v14 =	vld [tilespmem:s1+$0x0]  }
0x8a: {  	v13 =	vmul.f32 v13, v6;
	v18 =	vadd.f32 v25, v18;
	v25 =	vld [tilespmem:s30+$0x0];
	v19 =	vmul.f32 v19, v24  }
0x8b: {  	p0 =	sne.s32 s24, $0x7C0;
	s7 =	sadd.s32 s4, s19;
	v11 =	vmul.f32 v28, v11;
	v9 =	vmul.f32 v30, v9;
	v17 =	vadd.f32 v15, v17;
	v15 =	vld [tilespmem:s11+$0x0]  }
.Ltmp0:
0x8c: {  	v24 =	vmul.f32 v27, v29;
	v16 =	vadd.f32 v13, v16;
	v13 =	vld [tilespmem:s7+$0x0];
	v19 =	vmul.f32 v19, v6;
	(pc) =	sbr.rel @p0 .LBB2_4-.Ltmp0, $4  }
0x8d: {  	s20 =	sadd.s32 s0, s18;
	v12 =	vadd.f32 v26, v12;
	v26 =	vmul.f32 v9, v6;
	v27 =	vmul.f32 v11, v6;
	v11 =	vld [tilespmem:s8+$0x0]  }
0x8e: {  	s24 =	sadd.s32 $0x40, s24;
	v22 =	vmul.f32 v22, v7;
	s6 =	sadd.s32 s29, s19;
	s9 =	sadd.s32 s0, s5;
	v23 =	vadd.f32 v19, v23;
	v19 =	vmul.f32 v24, v6;
	v24 =	vld [tilespmem:s20+$0x0]  }
0x8f: {  	s25 =	sadd.s32 s3, s18;
	s31 =	sadd.s32 s29, s5;
	s0 =	sadd.s32 s4, s5;
	v20 =	vadd.f32 v26, v20;
	v9 =	vmov v25;
	v25 =	vld [tilespmem:s9+$0x0]  }
0x90: {  	s29 =	sadd.s32 s4, s18;
	s28 =	sadd.s32 s3, s5;
	s30 =	sadd.s32 s3, s19;
	v12 =	vmul.f32 v12, v7;
	v22 =	vadd.f32 v27, v22;
	v21 =	vadd.f32 v19, v21;
	v19 =	vld [tilespmem:s6+$0x0]  }
0x91: {  	v26 =	vld [tilespmem:s31+$0x0];
	_ =	sdelay $0x1  }
0x92: {  	v51 =	vld [tilespmem:s30+$0x0];
	v17 =	vmul.f32 v17, v7;
	v15 =	vmul.f32 v24, v15  }
0x93: {  	v52 =	vld [tilespmem:s25+$0x0];
	v18 =	vmul.f32 v18, v7;
	v10 =	vmul.f32 v10, v25  }
0x94: {  	v27 =	vld [tilespmem:s28+$0x0];
	v8 =	vmul.f32 v8, v14;
	v15 =	vmul.f32 v15, v6  }
0x95: {  	v10 =	vmul.f32 v10, v6;
	v53 =	vmul.f32 v19, v26  }
0x96: {  	v8 =	vmul.f32 v8, v6;
	v15 =	vadd.f32 v15, v17  }
0x97: {  	v54 =	vmul.f32 v23, v7;
	v55 =	vld [tilespmem:s29+$0x0];
	v10 =	vadd.f32 v10, v18;
	v14 =	vmul.f32 v53, v6  }
0x98: {  	v56 =	vld [tilespmem:s0+$0x0];
	v8 =	vadd.f32 v8, v12;
	v9 =	vmul.f32 v52, v9;
	v57 =	vmul.f32 v15, v5  }
0x99: {  	v58 =	vmul.f32 v51, v27;
	v14 =	vadd.f32 v14, v54;
	v10 =	vmul.f32 v10, v5  }
0x9a: {  	v59 =	vmul.f32 v20, v7;
	v9 =	vmul.f32 v9, v6;
	v8 =	vadd.f32 v8, v57  }
0x9b: {  	v60 =	vmul.f32 v21, v7;
	v15 =	vmul.f32 v58, v6;
	v10 =	vadd.f32 v14, v10  }
0x9c: {  	v11 =	vmul.f32 v55, v11;
	v9 =	vadd.f32 v9, v59;
	v8 =	vmul.f32 v8, v5  }
0x9d: {  	v13 =	vmul.f32 v13, v56;
	v12 =	vadd.f32 v15, v60;
	v10 =	vmul.f32 v10, v5  }
0x9e: {  	v61 =	vmul.f32 v22, v7;
	v11 =	vmul.f32 v11, v6;
	v8 =	vadd.f32 v8, v9  }
0x9f: {  	s21 =	sadd.s32 $0x1, s21;
	v7 =	vmul.f32 v16, v7;
	v6 =	vmul.f32 v13, v6;
	v62 =	vadd.f32 v10, v12  }
0xa0: {  	p0 =	sne.s32 s21, $0x4;
	v63 =	vadd.f32 v11, v61;
	v8 =	vmul.f32 v8, v5  }
.Ltmp1:
0xa1: {  	v6 =	vadd.f32 v6, v7;
	v5 =	vmul.f32 v62, v5;
	(pc) =	sbr.rel @p0 .LBB2_3-.Ltmp1, $4  }
0xa2: {  	v7 =	vadd.f32 v8, v63  }
0xa3: {  	v5 =	vadd.f32 v5, v6  }
0xa4: {  	[tilespmem:s23+$0x11200] =	vst v7  }
0xa5: {  	[tilespmem:v4+s22+$0x0 ss:$0x1] =	vst.idx.msk $0xffff, v5  }
0xa6: {  	p0 =	seq.s32 s12, $0xF  }
0xa7: {  	s0 =	sshrl.u32 @!p0 s16, $0x2  }
0xa8: {  	v5 =	vld @!p0 [tilespmem:s0+$0x20];
	_ =	sdelay $0x4  }
0xa9: {  	v6 =	vshll.u32 @!p0 v5, $0x4  }
0xaa: {  	v7 =	vlaneseq.u32 @!p0;
	v5 =	vand.u32 @!p0 $0x7, v5;
	v6 =	vand.u32 @!p0 $0xFFFFFF80, v6  }
0xab: {  	v8 =	vshrl.u32 @!p0 v7, $0x3;
	v5 =	vor.u32 @!p0 v5, v6;
	v6 =	vand.u32 @!p0 $0x7, v7  }
0xac: {  	v8 =	vmul.u32 @!p0 $0x8, v8;
	v6 =	vperm.xlane @!p0 v5, v6;
	_ =	sdelay $0x1  }
0xad: {  	v6 =	vadd.s32 @!p0 v8, v6;
	_ =	sdelay $0x3  }
0xae: {  	vm1 =	vmmov @!p0 $0xffff;
	s1 =	simm.s32 @!p0 $0x1200;
	s0 =	simm.s32 @!p0 $0x0  }
0xaf: {  	[tilespmem:s1], [sflag:$0x1] =	stream.indirect_vreg.gather @!p0 [hbm4b:s10+s0], $0x80, v6, vm1, $0xb8;
	[tilespmem:$0x12300] =	vst v63  }
0xb0: {  	s3 =	rddreg [dreg:$0x8];
	s1 =	simm.s32 @!p0 $0x1A00  }
0xb1: {  	[tilespmem:s1], [sflag:$0x1] =	stream.indirect_vreg.gather @!p0 [hbm4b:s3+s0], $0x80, v6, vm1, $0xb8;
	[tilespmem:$0x12300] =	vst v63  }
0xb2: {  	s4 =	rddreg [dreg:$0x9];
	s1 =	simm.s32 @!p0 $0x2200  }
0xb3: {  	[tilespmem:s1], [sflag:$0x1] =	stream.indirect_vreg.gather @!p0 [hbm4b:s4+s0], $0x80, v6, vm1, $0xb8;
	[tilespmem:$0x12300] =	vst v63  }
0xb4: {  	s5 =	rddreg [dreg:$0xa];
	s1 =	simm.s32 @!p0 $0x2A00  }
0xb5: {  	[tilespmem:s1], [sflag:$0x1] =	stream.indirect_vreg.gather @!p0 [hbm4b:s5+s0], $0x80, v6, vm1, $0xb8;
	[tilespmem:$0x12300] =	vst v63  }
0xb6: {  	s6 =	rddreg [dreg:$0xb];
	s1 =	simm.s32 @!p0 $0x3200  }
0xb7: {  	v7 =	vor.u32 @!p0 $0x8, v7;
	[tilespmem:s1], [sflag:$0x1] =	stream.indirect_vreg.gather @!p0 [hbm4b:s6+s0], $0x80, v6, vm1, $0xb8;
	[tilespmem:$0x12300] =	vst v63  }
0xb8: {  	s7 =	rddreg [dreg:$0xc];
	v5 =	vperm.xlane @!p0 v5, v7;
	s1 =	simm.s32 @!p0 $0x3A00  }
0xb9: {  	[tilespmem:s1], [sflag:$0x1] =	stream.indirect_vreg.gather @!p0 [hbm4b:s7+s0], $0x80, v6, vm1, $0xb8;
	[tilespmem:$0x12300] =	vst v63  }
0xba: {  	v5 =	vadd.s32 @!p0 v8, v5;
	s1 =	simm.s32 @!p0 $0x4200  }
0xbb: {  	[tilespmem:s1], [sflag:$0x1] =	stream.indirect_vreg.gather @!p0 [hbm4b:s13+s0], $0x80, v6, vm1, $0xb8;
	[tilespmem:$0x12300] =	vst v63  }
0xbc: {  	s1 =	simm.s32 @!p0 $0x4A00  }
0xbd: {  	[tilespmem:s1], [sflag:$0x1] =	stream.indirect_vreg.gather @!p0 [hbm4b:s14+s0], $0x80, v6, vm1, $0xb8;
	[tilespmem:$0x12300] =	vst v63  }
0xbe: {  	s1 =	simm.s32 @!p0 $0x5200  }
0xbf: {  	[tilespmem:s1], [sflag:$0x1] =	stream.indirect_vreg.gather @!p0 [hbm4b:s10+s0], $0x80, v5, vm1, $0xb8;
	[tilespmem:$0x12300] =	vst v63  }
0xc0: {  	s1 =	simm.s32 @!p0 $0x5A00  }
0xc1: {  	[tilespmem:s1], [sflag:$0x1] =	stream.indirect_vreg.gather @!p0 [hbm4b:s3+s0], $0x80, v5, vm1, $0xb8;
	[tilespmem:$0x12300] =	vst v63  }
0xc2: {  	s1 =	simm.s32 @!p0 $0x6200  }
0xc3: {  	[tilespmem:s1], [sflag:$0x1] =	stream.indirect_vreg.gather @!p0 [hbm4b:s4+s0], $0x80, v5, vm1, $0xb8;
	[tilespmem:$0x12300] =	vst v63  }
0xc4: {  	s1 =	simm.s32 @!p0 $0x6A00  }
0xc5: {  	[tilespmem:s1], [sflag:$0x1] =	stream.indirect_vreg.gather @!p0 [hbm4b:s5+s0], $0x80, v5, vm1, $0xb8;
	[tilespmem:$0x12300] =	vst v63  }
0xc6: {  	s1 =	simm.s32 @!p0 $0x7200  }
0xc7: {  	[tilespmem:s1], [sflag:$0x1] =	stream.indirect_vreg.gather @!p0 [hbm4b:s6+s0], $0x80, v5, vm1, $0xb8;
	[tilespmem:$0x12300] =	vst v63  }
0xc8: {  	s1 =	simm.s32 @!p0 $0x7A00  }
0xc9: {  	[tilespmem:s1], [sflag:$0x1] =	stream.indirect_vreg.gather @!p0 [hbm4b:s7+s0], $0x80, v5, vm1, $0xb8;
	[tilespmem:$0x12300] =	vst v63  }
0xca: {  	s1 =	simm.s32 @!p0 $0x8200  }
0xcb: {  	[tilespmem:s1], [sflag:$0x1] =	stream.indirect_vreg.gather @!p0 [hbm4b:s13+s0], $0x80, v5, vm1, $0xb8;
	[tilespmem:$0x12300] =	vst v63  }
0xcc: {  	s31 =	simm.s32 $0x2;
	s1 =	simm.s32 @!p0 $0x8A00  }
0xcd: {  	[tilespmem:s1], [sflag:$0x1] =	stream.indirect_vreg.gather @!p0 [hbm4b:s14+s0], $0x80, v5, vm1, $0xb8;
	[tilespmem:$0x12300] =	vst v63  }
0xce: {  	_ =	swait.ge [sflag:s31], $0x8000  }
0xcf: {  	s11 =	smov.u32 s10;
	s17 =	sor.u32 $0x40, s16;
	[sflag:s31] =	ssyncset.done $0x0  }
0xd0: {  	s21 =	simm.s32 $0x0;
	s22 =	simm.s32 $0x0;
	v5 =	vmov s17;
	[sflag:s31] =	ssyncadd.s32 $0xFFFF8000  }
.LBB2_7:
0xd1: {  	s0 =	sshll.u32 s22, $0x9;
	s1 =	sshll.u32 s22, $0xD  }
0xd2: {  	s1 =	sand.u32 $0x4000, s1;
	s0 =	sand.u32 $0x200, s0  }
0xd3: {  	s0 =	sor.u32 s0, s1  }
0xd4: {  	s0 =	sadd.s32 $0x9200, s0  }
0xd5: {  	[dreg:$0x4] =	wrdreg s0  }
0xd6: {  	s24 =	sand.u32 $0x3C00, s21;
	s3 =	sshll.u32 s22, $0x4;
	s0 =	rddreg [dreg:$0x4]  }
0xd7: {  	v6 =	vld.idx.msk [tilespmem:v5+s3+$0xA00 ss:$0x1], $0xffff;
	s1 =	sand.u32 $0x40, s21;
	s0 =	sadd.s32 s24, s0  }
0xd8: {  	v7 =	vld.idx.msk [tilespmem:v5+s3+$0x200 ss:$0x1], $0xffff;
	s7 =	sor.u32 $0x10, s1;
	s8 =	sadd.s32 s1, s0  }
0xd9: {  	s9 =	sor.u32 $0x30, s1;
	s10 =	sadd.s32 s7, s0;
	v16 =	vld [tilespmem:s8+$0x0]  }
0xda: {  	s4 =	sadd.s32 $0x180, s0;
	s19 =	sadd.s32 s9, s0;
	v15 =	vld [tilespmem:s10+$0x0]  }
0xdb: {  	s6 =	sadd.s32 $0x80, s0;
	s5 =	sadd.s32 s1, s4;
	v12 =	vld [tilespmem:s19+$0x0]  }
0xdc: {  	s25 =	sadd.s32 s7, s6;
	v11 =	vld [tilespmem:s5+$0x0]  }
0xdd: {  	s18 =	sadd.s32 s9, s4;
	v9 =	vld [tilespmem:s25+$0x0]  }
0xde: {  	s23 =	sadd.s32 s17, s3;
	v8 =	vmul.f32 v6, v6;
	s8 =	sor.u32 $0x20, s1;
	s20 =	sadd.s32 s1, s6;
	v13 =	vld [tilespmem:s18+$0x0]  }
0xdf: {  	s24 =	simm.s32 $0x40;
	s29 =	sadd.s32 s9, s6;
	s26 =	sadd.s32 s8, s0;
	v25 =	vld [tilespmem:s20+$0x0]  }
0xe0: {  	v22 =	vimm.f32 $0.0e+00;
	v23 =	vimm.f32 $0.0e+00;
	v8 =	vmul.f32 v8, v8;
	s0 =	sadd.s32 $0x100, s0;
	s25 =	sadd.s32 s8, s6;
	v10 =	vld [tilespmem:s26+$0x0];
	s26 =	sadd.s32 s7, s4  }
0xe1: {  	v24 =	vimm.f32 $0.0e+00;
	v18 =	vimm.f32 $0.0e+00;
	v17 =	vimm.f32 $0.0e+00;
	s30 =	sadd.s32 s8, s4;
	s1 =	sadd.s32 s1, s0;
	s31 =	sadd.s32 s7, s0;
	v20 =	vld [tilespmem:s26+$0x0]  }
0xe2: {  	v19 =	vimm.f32 $0.0e+00;
	v21 =	vimm.f32 $0.0e+00;
	v14 =	vmul.f32 v22, v8;
	s28 =	sadd.s32 s8, s0;
	s0 =	sadd.s32 s9, s0;
	v26 =	vld [tilespmem:s1+$0x0];
	s26 =	simm.s32 $0x0  }
.LBB2_8:
0xe3: {  	v27 =	vld [tilespmem:s0+$0x0]  }
0xe4: {  	s26 =	sadd.s32 $0x200, s26;
	v28 =	vld [tilespmem:s30+$0x0]  }
0xe5: {  	s1 =	rddreg [dreg:$0x4];
	s20 =	smov.u32 s24;
	v24 =	vmul.f32 v24, v8;
	v18 =	vmul.f32 v18, v8;
	v29 =	vld [tilespmem:s29+$0x0];
	s3 =	sand.u32 $0x3C00, s26  }
0xe6: {  	v19 =	vmul.f32 v19, v8;
	v31 =	vld [tilespmem:s25+$0x0];
	v22 =	vmul.f32 v22, v8;
	s0 =	sand.u32 $0x40, s20;
	s1 =	sadd.s32 s3, s1  }
0xe7: {  	v23 =	vmul.f32 v23, v8;
	s5 =	sor.u32 $0x10, s0;
	s8 =	sor.u32 $0x30, s0;
	s4 =	sadd.s32 $0x180, s1;
	v16 =	vmul.f32 v25, v16;
	v25 =	vld [tilespmem:s31+$0x0]  }
0xe8: {  	v30 =	vld [tilespmem:s28+$0x0];
	v17 =	vmul.f32 v17, v8;
	s19 =	sor.u32 $0x20, s0;
	s3 =	sadd.s32 $0x80, s1;
	v26 =	vmul.f32 v11, v26;
	s7 =	sadd.s32 s0, s4  }
0xe9: {  	s9 =	sadd.s32 s0, s1;
	s18 =	sadd.s32 $0x100, s1;
	v15 =	vmul.f32 v9, v15;
	v13 =	vmul.f32 v13, v27;
	v11 =	vld [tilespmem:s7+$0x0];
	s7 =	sadd.s32 s5, s3  }
0xea: {  	s28 =	sadd.s32 s19, s1;
	s10 =	sadd.s32 s8, s1;
	s1 =	sadd.s32 s5, s1;
	v12 =	vmul.f32 v29, v12;
	v26 =	vmul.f32 v26, v7;
	v9 =	vld [tilespmem:s7+$0x0]  }
0xeb: {  	v10 =	vmul.f32 v31, v10;
	v27 =	vmul.f32 v15, v7;
	v15 =	vld [tilespmem:s1+$0x0]  }
0xec: {  	v16 =	vmul.f32 v16, v7;
	v19 =	vadd.f32 v26, v19;
	v26 =	vld [tilespmem:s28+$0x0];
	v20 =	vmul.f32 v20, v25  }
0xed: {  	p1 =	sne.s32 s24, $0x7C0;
	v13 =	vmul.f32 v13, v7;
	v63 =	vmul.f32 v12, v7;
	v12 =	vld [tilespmem:s10+$0x0]  }
.Ltmp2:
0xee: {  	s20 =	sadd.s32 s8, s4;
	v18 =	vadd.f32 v16, v18;
	v16 =	vld [tilespmem:s9+$0x0];
	v25 =	vmul.f32 v28, v30;
	v20 =	vmul.f32 v20, v7;
	(pc) =	sbr.rel @p1 .LBB2_8-.Ltmp2, $4  }
0xef: {  	v21 =	vmul.f32 v21, v8;
	s6 =	sadd.s32 s0, s3;
	v14 =	vadd.f32 v27, v14;
	v17 =	vadd.f32 v13, v17;
	v13 =	vld [tilespmem:s20+$0x0]  }
0xf0: {  	s24 =	sadd.s32 $0x40, s24;
	s25 =	sadd.s32 s19, s3;
	s7 =	sadd.s32 s0, s18;
	v27 =	vmul.f32 v10, v7;
	v24 =	vadd.f32 v20, v24;
	v20 =	vmul.f32 v25, v7;
	v25 =	vld [tilespmem:s6+$0x0]  }
0xf1: {  	s30 =	sadd.s32 s19, s4;
	s31 =	sadd.s32 s5, s18;
	s9 =	sadd.s32 s5, s4;
	v23 =	vadd.f32 v63, v23;
	v10 =	vmov v26;
	v26 =	vld [tilespmem:s7+$0x0]  }
0xf2: {  	s29 =	sadd.s32 s8, s3;
	s0 =	sadd.s32 s8, s18;
	s28 =	sadd.s32 s19, s18;
	v14 =	vmul.f32 v14, v8;
	v21 =	vadd.f32 v27, v21;
	v22 =	vadd.f32 v20, v22;
	v20 =	vld [tilespmem:s9+$0x0]  }
0xf3: {  	v27 =	vld [tilespmem:s31+$0x0];
	_ =	sdelay $0x1  }
0xf4: {  	v49 =	vld [tilespmem:s30+$0x0];
	v18 =	vmul.f32 v18, v8;
	v16 =	vmul.f32 v25, v16  }
0xf5: {  	v50 =	vld [tilespmem:s25+$0x0];
	v19 =	vmul.f32 v19, v8;
	v11 =	vmul.f32 v11, v26  }
0xf6: {  	v28 =	vld [tilespmem:s28+$0x0];
	v9 =	vmul.f32 v9, v15;
	v16 =	vmul.f32 v16, v7  }
0xf7: {  	v11 =	vmul.f32 v11, v7;
	v51 =	vmul.f32 v20, v27  }
0xf8: {  	v9 =	vmul.f32 v9, v7;
	v16 =	vadd.f32 v16, v18  }
0xf9: {  	v52 =	vmul.f32 v24, v8;
	v53 =	vld [tilespmem:s29+$0x0];
	v11 =	vadd.f32 v11, v19;
	v15 =	vmul.f32 v51, v7  }
0xfa: {  	v54 =	vld [tilespmem:s0+$0x0];
	v9 =	vadd.f32 v9, v14;
	v10 =	vmul.f32 v50, v10;
	v55 =	vmul.f32 v16, v6  }
0xfb: {  	v56 =	vmul.f32 v49, v28;
	v15 =	vadd.f32 v15, v52;
	v11 =	vmul.f32 v11, v6  }
0xfc: {  	v57 =	vmul.f32 v21, v8;
	v10 =	vmul.f32 v10, v7;
	v9 =	vadd.f32 v9, v55  }
0xfd: {  	v58 =	vmul.f32 v22, v8;
	v16 =	vmul.f32 v56, v7;
	v11 =	vadd.f32 v15, v11  }
0xfe: {  	v12 =	vmul.f32 v53, v12;
	v10 =	vadd.f32 v10, v57;
	v9 =	vmul.f32 v9, v6  }
0xff: {  	v13 =	vmul.f32 v13, v54;
	v14 =	vadd.f32 v16, v58;
	v11 =	vmul.f32 v11, v6  }
0x100: {  	v59 =	vmul.f32 v23, v8;
	v12 =	vmul.f32 v12, v7;
	v9 =	vadd.f32 v9, v10  }
0x101: {  	v60 =	vmul.f32 v17, v8;
	s22 =	sadd.s32 $0x1, s22;
	v7 =	vmul.f32 v13, v7;
	v61 =	vadd.f32 v11, v14  }
0x102: {  	p1 =	sne.s32 s22, $0x4;
	v62 =	vadd.f32 v12, v59;
	v9 =	vmul.f32 v9, v6  }
.Ltmp3:
0x103: {  	v7 =	vadd.f32 v7, v60;
	v6 =	vmul.f32 v61, v6;
	(pc) =	sbr.rel @p1 .LBB2_7-.Ltmp3, $4  }
0x104: {  	v63 =	vadd.f32 v9, v62  }
0x105: {  	v6 =	vadd.f32 v6, v7  }
0x106: {  	s31 =	sand.u32 $0x70, s23;
	[tilespmem:s23+$0x11200] =	vst v63  }
0x107: {  	[tilespmem:v4+s31+$0x0 ss:$0x1] =	vst.idx.msk $0xffff, v6  }
.Ltmp4:
0x108: {  	(pc) =	sbr.rel @p0 .LBB2_11-.Ltmp4, $1  }
0x109: {  	_ =	sdelay $0x3  }
0x10a: {  	s0 =	sshrl.u32 s16, $0x2  }
0x10b: {  	v4 =	vld [tilespmem:s0+$0x30];
	_ =	sdelay $0x4  }
0x10c: {  	v5 =	vshll.u32 v4, $0x4  }
0x10d: {  	v4 =	vand.u32 $0x7, v4;
	v5 =	vand.u32 $0xFFFFFF80, v5  }
0x10e: {  	v4 =	vor.u32 v4, v5  }
0x10f: {  	v5 =	vperm.xlane v4, v0;
	_ =	sdelay $0x1  }
0x110: {  	v5 =	vadd.s32 v1, v5;
	_ =	sdelay $0x3  }
0x111: {  	s9 =	simm.s32 $0x9200  }
0x112: {  	[tilespmem:s9], [sflag:$0x2] =	stream.indirect_vreg.gather [hbm4b:s11+s2], $0x80, v5, vm0, $0xb8;
	[tilespmem:$0x12300] =	vst v63  }
0x113: {  	s16 =	rddreg [dreg:$0x8];
	s1 =	simm.s32 $0x9A00  }
0x114: {  	[tilespmem:s1], [sflag:$0x2] =	stream.indirect_vreg.gather [hbm4b:s16+s2], $0x80, v5, vm0, $0xb8;
	[tilespmem:$0x12300] =	vst v63  }
0x115: {  	s17 =	rddreg [dreg:$0x9];
	s3 =	simm.s32 $0xA200  }
0x116: {  	[tilespmem:s3], [sflag:$0x2] =	stream.indirect_vreg.gather [hbm4b:s17+s2], $0x80, v5, vm0, $0xb8;
	[tilespmem:$0x12300] =	vst v63  }
0x117: {  	s18 =	rddreg [dreg:$0xa];
	s4 =	simm.s32 $0xAA00  }
0x118: {  	[tilespmem:s4], [sflag:$0x2] =	stream.indirect_vreg.gather [hbm4b:s18+s2], $0x80, v5, vm0, $0xb8;
	[tilespmem:$0x12300] =	vst v63  }
0x119: {  	s19 =	rddreg [dreg:$0xb];
	s5 =	simm.s32 $0xB200  }
0x11a: {  	[tilespmem:s5], [sflag:$0x2] =	stream.indirect_vreg.gather [hbm4b:s19+s2], $0x80, v5, vm0, $0xb8;
	[tilespmem:$0x12300] =	vst v63  }
0x11b: {  	s20 =	rddreg [dreg:$0xc];
	s6 =	simm.s32 $0xBA00;
	v4 =	vperm.xlane v4, v2  }
0x11c: {  	[tilespmem:s6], [sflag:$0x2] =	stream.indirect_vreg.gather [hbm4b:s20+s2], $0x80, v5, vm0, $0xb8;
	[tilespmem:$0x12300] =	vst v63  }
0x11d: {  	s21 =	simm.s32 $0xC200;
	v4 =	vadd.s32 v1, v4  }
0x11e: {  	[tilespmem:s21], [sflag:$0x2] =	stream.indirect_vreg.gather [hbm4b:s13+s2], $0x80, v5, vm0, $0xb8;
	[tilespmem:$0x12300] =	vst v63  }
0x11f: {  	s22 =	simm.s32 $0xCA00  }
0x120: {  	[tilespmem:s22], [sflag:$0x2] =	stream.indirect_vreg.gather [hbm4b:s14+s2], $0x80, v5, vm0, $0xb8;
	[tilespmem:$0x12300] =	vst v63  }
0x121: {  	s23 =	simm.s32 $0xD200  }
0x122: {  	[tilespmem:s23], [sflag:$0x2] =	stream.indirect_vreg.gather [hbm4b:s11+s2], $0x80, v4, vm0, $0xb8;
	[tilespmem:$0x12300] =	vst v63  }
0x123: {  	s24 =	simm.s32 $0xDA00  }
0x124: {  	[tilespmem:s24], [sflag:$0x2] =	stream.indirect_vreg.gather [hbm4b:s16+s2], $0x80, v4, vm0, $0xb8;
	[tilespmem:$0x12300] =	vst v63  }
0x125: {  	s25 =	simm.s32 $0xE200  }
0x126: {  	[tilespmem:s25], [sflag:$0x2] =	stream.indirect_vreg.gather [hbm4b:s17+s2], $0x80, v4, vm0, $0xb8;
	[tilespmem:$0x12300] =	vst v63  }
0x127: {  	s26 =	simm.s32 $0xEA00  }
0x128: {  	[tilespmem:s26], [sflag:$0x2] =	stream.indirect_vreg.gather [hbm4b:s18+s2], $0x80, v4, vm0, $0xb8;
	[tilespmem:$0x12300] =	vst v63  }
0x129: {  	s28 =	simm.s32 $0xF200  }
0x12a: {  	[tilespmem:s28], [sflag:$0x2] =	stream.indirect_vreg.gather [hbm4b:s19+s2], $0x80, v4, vm0, $0xb8;
	[tilespmem:$0x12300] =	vst v63  }
0x12b: {  	s29 =	simm.s32 $0xFA00  }
0x12c: {  	[tilespmem:s29], [sflag:$0x2] =	stream.indirect_vreg.gather [hbm4b:s20+s2], $0x80, v4, vm0, $0xb8;
	[tilespmem:$0x12300] =	vst v63  }
.Ltmp5:
0x12d: {  	_ = 	snop;
	(pc) =	sbr.rel .LBB2_2-.Ltmp5, $4  }
0x12e: {  	s30 =	simm.s32 $0x10200  }
0x12f: {  	[tilespmem:s30], [sflag:$0x2] =	stream.indirect_vreg.gather [hbm4b:s13+s2], $0x80, v4, vm0, $0xb8;
	[tilespmem:$0x12300] =	vst v63  }
0x130: {  	s10 =	smov.u32 s11;
	s31 =	simm.s32 $0x10A00;
	s12 =	sadd.s32 $0x1, s12  }
0x131: {  	[tilespmem:s31], [sflag:$0x2] =	stream.indirect_vreg.gather [hbm4b:s14+s2], $0x80, v4, vm0, $0xb8;
	[tilespmem:$0x12300] =	vst v63  }
.LBB2_11:
0x132: {  	s0 =	simm.s32 $0x0  }
0x133: {  	v4 =	vmov s0  }
0x134: {  	v4 =	vshll.u32 v4, $0x4  }
0x135: {  	v4 =	vor.u32 v3, v4;
	_ =	sdelay $0x1  }
0x136: {  	v5 =	vor.u32 $0x1, v4;
	_ =	sdelay $0x1  }
0x137: {  	v6 =	vor.u32 $0x2, v4  }
0x138: {  	v7 =	vld.idx.msk [tilespmem:v4+s15+$0x0], $0xffff  }
0x139: {  	v8 =	vor.u32 $0x3, v4  }
0x13a: {  	v5 =	vld.idx.msk [tilespmem:v5+s15+$0x0], $0xffff  }
0x13b: {  	v9 =	vor.u32 $0x4, v4  }
0x13c: {  	v6 =	vld.idx.msk [tilespmem:v6+s15+$0x0], $0xffff  }
0x13d: {  	v10 =	vor.u32 $0x5, v4;
	v7 =	vadd.f32 $0.0e+00, v7  }
0x13e: {  	v8 =	vld.idx.msk [tilespmem:v8+s15+$0x0], $0xffff  }
0x13f: {  	v11 =	vor.u32 $0x6, v4;
	v5 =	vadd.f32 v5, v7  }
0x140: {  	v7 =	vld.idx.msk [tilespmem:v9+s15+$0x0], $0xffff  }
0x141: {  	v45 =	vor.u32 $0x7, v4;
	v5 =	vadd.f32 v6, v5  }
0x142: {  	v6 =	vld.idx.msk [tilespmem:v10+s15+$0x0], $0xffff  }
0x143: {  	v46 =	vor.u32 $0x8, v4;
	v5 =	vadd.f32 v8, v5  }
0x144: {  	v8 =	vld.idx.msk [tilespmem:v11+s15+$0x0], $0xffff  }
0x145: {  	v47 =	vor.u32 $0x9, v4;
	v5 =	vadd.f32 v7, v5  }
0x146: {  	v7 =	vld.idx.msk [tilespmem:v45+s15+$0x0], $0xffff  }
0x147: {  	v48 =	vor.u32 $0xA, v4;
	v5 =	vadd.f32 v6, v5  }
0x148: {  	v6 =	vld.idx.msk [tilespmem:v46+s15+$0x0], $0xffff  }
0x149: {  	v49 =	vor.u32 $0xB, v4;
	v5 =	vadd.f32 v8, v5  }
0x14a: {  	v8 =	vld.idx.msk [tilespmem:v47+s15+$0x0], $0xffff  }
0x14b: {  	v50 =	vor.u32 $0xC, v4;
	v5 =	vadd.f32 v7, v5  }
0x14c: {  	v7 =	vld.idx.msk [tilespmem:v48+s15+$0x0], $0xffff  }
0x14d: {  	v51 =	vor.u32 $0xD, v4;
	v5 =	vadd.f32 v6, v5  }
0x14e: {  	v6 =	vld.idx.msk [tilespmem:v49+s15+$0x0], $0xffff  }
0x14f: {  	v52 =	vor.u32 $0xE, v4;
	v5 =	vadd.f32 v8, v5  }
0x150: {  	v8 =	vld.idx.msk [tilespmem:v50+s15+$0x0], $0xffff  }
0x151: {  	v4 =	vor.u32 $0xF, v4;
	v5 =	vadd.f32 v7, v5  }
0x152: {  	v7 =	vld.idx.msk [tilespmem:v51+s15+$0x0], $0xffff  }
0x153: {  	v5 =	vadd.f32 v6, v5  }
0x154: {  	v6 =	vld.idx.msk [tilespmem:v52+s15+$0x0], $0xffff  }
0x155: {  	v5 =	vadd.f32 v8, v5  }
0x156: {  	s30 =	simm.s32 $0x10;
	v4 =	vld.idx.msk [tilespmem:v4+s15+$0x0], $0xffff  }
0x157: {  	v8 =	vmov s30;
	v5 =	vadd.f32 v7, v5  }
0x158: {  	v7 =	vshll.u32 v8, $0x4  }
0x159: {  	v7 =	vor.u32 v3, v7;
	v5 =	vadd.f32 v6, v5;
	_ =	sdelay $0x1  }
0x15a: {  	v6 =	vor.u32 $0x1, v7;
	v4 =	vadd.f32 v4, v5  }
0x15b: {  	s12 =	simm.s32 $0x12200  }
0x15c: {  	v5 =	vor.u32 $0x2, v7;
	[tilespmem:s12+$0x0] =	vst v4  }
0x15d: {  	v4 =	vld.idx.msk [tilespmem:v7+s15+$0x0], $0xffff  }
0x15e: {  	v8 =	vor.u32 $0x3, v7  }
0x15f: {  	v6 =	vld.idx.msk [tilespmem:v6+s15+$0x0], $0xffff  }
0x160: {  	v53 =	vor.u32 $0x4, v7  }
0x161: {  	v5 =	vld.idx.msk [tilespmem:v5+s15+$0x0], $0xffff  }
0x162: {  	v54 =	vor.u32 $0x5, v7;
	v4 =	vadd.f32 $0.0e+00, v4  }
0x163: {  	v8 =	vld.idx.msk [tilespmem:v8+s15+$0x0], $0xffff  }
0x164: {  	v55 =	vor.u32 $0x6, v7;
	v4 =	vadd.f32 v6, v4  }
0x165: {  	v6 =	vld.idx.msk [tilespmem:v53+s15+$0x0], $0xffff  }
0x166: {  	v56 =	vor.u32 $0x7, v7;
	v4 =	vadd.f32 v5, v4  }
0x167: {  	v5 =	vld.idx.msk [tilespmem:v54+s15+$0x0], $0xffff  }
0x168: {  	v57 =	vor.u32 $0x8, v7;
	v4 =	vadd.f32 v8, v4  }
0x169: {  	v8 =	vld.idx.msk [tilespmem:v55+s15+$0x0], $0xffff  }
0x16a: {  	v58 =	vor.u32 $0x9, v7;
	v4 =	vadd.f32 v6, v4  }
0x16b: {  	v6 =	vld.idx.msk [tilespmem:v56+s15+$0x0], $0xffff  }
0x16c: {  	v59 =	vor.u32 $0xA, v7;
	v4 =	vadd.f32 v5, v4  }
0x16d: {  	v5 =	vld.idx.msk [tilespmem:v57+s15+$0x0], $0xffff  }
0x16e: {  	v60 =	vor.u32 $0xB, v7;
	v4 =	vadd.f32 v8, v4  }
0x16f: {  	v8 =	vld.idx.msk [tilespmem:v58+s15+$0x0], $0xffff  }
0x170: {  	v61 =	vor.u32 $0xC, v7;
	v4 =	vadd.f32 v6, v4  }
0x171: {  	v6 =	vld.idx.msk [tilespmem:v59+s15+$0x0], $0xffff  }
0x172: {  	v62 =	vor.u32 $0xD, v7;
	v4 =	vadd.f32 v5, v4  }
0x173: {  	v5 =	vld.idx.msk [tilespmem:v60+s15+$0x0], $0xffff  }
0x174: {  	v63 =	vor.u32 $0xE, v7;
	v4 =	vadd.f32 v8, v4  }
0x175: {  	v8 =	vld.idx.msk [tilespmem:v61+s15+$0x0], $0xffff  }
0x176: {  	v4 =	vadd.f32 v6, v4;
	v6 =	vor.u32 $0xF, v7  }
0x177: {  	v9 =	vld.idx.msk [tilespmem:v62+s15+$0x0], $0xffff  }
0x178: {  	v4 =	vadd.f32 v5, v4  }
0x179: {  	v5 =	vld.idx.msk [tilespmem:v63+s15+$0x0], $0xffff  }
0x17a: {  	v8 =	vadd.f32 v8, v4  }
0x17b: {  	s31 =	simm.s32 $0x20;
	v4 =	vld.idx.msk [tilespmem:v6+s15+$0x0], $0xffff  }
0x17c: {  	s10 =	smov.u32 s11;
	s16 =	simm.s32 $0x30;
	s1 =	simm.s32 $0x3;
	v7 =	vmov s31;
	v6 =	vadd.f32 v9, v8  }
.LBB2_12:
0x17d: {  	p0 =	sne.s32 s16, $0xF0;
	v7 =	vshll.u32 v7, $0x4  }
0x17e: {  	v7 =	vor.u32 v3, v7;
	v5 =	vadd.f32 v5, v6;
	_ =	sdelay $0x1  }
0x17f: {  	v6 =	vor.u32 $0x1, v7;
	v4 =	vadd.f32 v4, v5  }
0x180: {  	s12 =	sadd.s32 $0x10, s12  }
0x181: {  	v5 =	vor.u32 $0x2, v7;
	[tilespmem:s12+$0x0] =	vst v4  }
0x182: {  	v4 =	vld.idx.msk [tilespmem:v7+s15+$0x0], $0xffff  }
0x183: {  	v8 =	vor.u32 $0x3, v7  }
0x184: {  	v6 =	vld.idx.msk [tilespmem:v6+s15+$0x0], $0xffff  }
0x185: {  	v9 =	vor.u32 $0x4, v7  }
0x186: {  	v5 =	vld.idx.msk [tilespmem:v5+s15+$0x0], $0xffff  }
0x187: {  	v10 =	vor.u32 $0x5, v7  }
0x188: {  	v4 =	vadd.f32 $0.0e+00, v4;
	v8 =	vld.idx.msk [tilespmem:v8+s15+$0x0], $0xffff  }
0x189: {  	v11 =	vor.u32 $0x6, v7  }
0x18a: {  	v4 =	vadd.f32 v6, v4;
	v6 =	vld.idx.msk [tilespmem:v9+s15+$0x0], $0xffff  }
0x18b: {  	v9 =	vor.u32 $0x7, v7  }
0x18c: {  	v4 =	vadd.f32 v5, v4;
	v5 =	vld.idx.msk [tilespmem:v10+s15+$0x0], $0xffff  }
0x18d: {  	v10 =	vor.u32 $0x8, v7  }
0x18e: {  	v4 =	vadd.f32 v8, v4;
	v8 =	vld.idx.msk [tilespmem:v11+s15+$0x0], $0xffff  }
0x18f: {  	v11 =	vor.u32 $0x9, v7  }
0x190: {  	v4 =	vadd.f32 v6, v4;
	v6 =	vld.idx.msk [tilespmem:v9+s15+$0x0], $0xffff  }
0x191: {  	v9 =	vor.u32 $0xA, v7  }
0x192: {  	v4 =	vadd.f32 v5, v4;
	v5 =	vld.idx.msk [tilespmem:v10+s15+$0x0], $0xffff  }
0x193: {  	v10 =	vor.u32 $0xB, v7  }
0x194: {  	v4 =	vadd.f32 v8, v4;
	v8 =	vld.idx.msk [tilespmem:v11+s15+$0x0], $0xffff  }
0x195: {  	v11 =	vor.u32 $0xC, v7  }
0x196: {  	v4 =	vadd.f32 v6, v4;
	v6 =	vld.idx.msk [tilespmem:v9+s15+$0x0], $0xffff  }
0x197: {  	v9 =	vor.u32 $0xD, v7  }
0x198: {  	v4 =	vadd.f32 v5, v4;
	v5 =	vld.idx.msk [tilespmem:v10+s15+$0x0], $0xffff  }
0x199: {  	v10 =	vor.u32 $0xE, v7  }
0x19a: {  	v4 =	vadd.f32 v8, v4;
	v8 =	vld.idx.msk [tilespmem:v11+s15+$0x0], $0xffff  }
0x19b: {  	v7 =	vor.u32 $0xF, v7  }
0x19c: {  	v4 =	vadd.f32 v6, v4;
	v6 =	vld.idx.msk [tilespmem:v9+s15+$0x0], $0xffff;
	_ =	sdelay $0x1  }
.Ltmp6:
0x19d: {  	v4 =	vadd.f32 v5, v4;
	v5 =	vld.idx.msk [tilespmem:v10+s15+$0x0], $0xffff;
	(pc) =	sbr.rel @p0 .LBB2_12-.Ltmp6, $3  }
0x19e: {  	_ = 	snop  }
0x19f: {  	v8 =	vadd.f32 v8, v4;
	v4 =	vld.idx.msk [tilespmem:v7+s15+$0x0], $0xffff;
	_ =	sdelay $0x1  }
0x1a0: {  	v7 =	vmov s16;
	s16 =	sadd.s32 $0x10, s16;
	v6 =	vadd.f32 v6, v8  }
0x1a1: {  	v7 =	vshll.u32 v7, $0x4  }
0x1a2: {  	v7 =	vor.u32 v3, v7;
	v5 =	vadd.f32 v5, v6;
	_ =	sdelay $0x1  }
0x1a3: {  	v48 =	vor.u32 $0x1, v7;
	v4 =	vadd.f32 v4, v5  }
0x1a4: {  	s0 =	sadd.s32 $0x10, s12  }
0x1a5: {  	v5 =	vor.u32 $0x2, v7;
	[tilespmem:s0+$0x0] =	vst v4  }
0x1a6: {  	v4 =	vld.idx.msk [tilespmem:v7+s15+$0x0], $0xffff  }
0x1a7: {  	v8 =	vor.u32 $0x3, v7  }
0x1a8: {  	v6 =	vld.idx.msk [tilespmem:v48+s15+$0x0], $0xffff  }
0x1a9: {  	v9 =	vor.u32 $0x4, v7  }
0x1aa: {  	v5 =	vld.idx.msk [tilespmem:v5+s15+$0x0], $0xffff  }
0x1ab: {  	v10 =	vor.u32 $0x5, v7;
	v4 =	vadd.f32 $0.0e+00, v4  }
0x1ac: {  	v8 =	vld.idx.msk [tilespmem:v8+s15+$0x0], $0xffff  }
0x1ad: {  	v11 =	vor.u32 $0x6, v7;
	v4 =	vadd.f32 v6, v4  }
0x1ae: {  	v49 =	vld.idx.msk [tilespmem:v9+s15+$0x0], $0xffff  }
0x1af: {  	v50 =	vor.u32 $0x7, v7;
	v4 =	vadd.f32 v5, v4  }
0x1b0: {  	v5 =	vld.idx.msk [tilespmem:v10+s15+$0x0], $0xffff  }
0x1b1: {  	v51 =	vor.u32 $0x8, v7;
	v4 =	vadd.f32 v8, v4  }
0x1b2: {  	v52 =	vld.idx.msk [tilespmem:v11+s15+$0x0], $0xffff  }
0x1b3: {  	v53 =	vor.u32 $0x9, v7;
	v4 =	vadd.f32 v49, v4  }
0x1b4: {  	v54 =	vld.idx.msk [tilespmem:v50+s15+$0x0], $0xffff  }
0x1b5: {  	v55 =	vor.u32 $0xA, v7;
	v4 =	vadd.f32 v5, v4  }
0x1b6: {  	v5 =	vld.idx.msk [tilespmem:v51+s15+$0x0], $0xffff  }
0x1b7: {  	v56 =	vor.u32 $0xB, v7;
	v4 =	vadd.f32 v52, v4  }
0x1b8: {  	v57 =	vld.idx.msk [tilespmem:v53+s15+$0x0], $0xffff  }
0x1b9: {  	v58 =	vor.u32 $0xC, v7;
	v4 =	vadd.f32 v54, v4  }
0x1ba: {  	v59 =	vld.idx.msk [tilespmem:v55+s15+$0x0], $0xffff  }
0x1bb: {  	v60 =	vor.u32 $0xD, v7;
	v4 =	vadd.f32 v5, v4  }
0x1bc: {  	v5 =	vld.idx.msk [tilespmem:v56+s15+$0x0], $0xffff  }
0x1bd: {  	v61 =	vor.u32 $0xE, v7;
	v4 =	vadd.f32 v57, v4  }
0x1be: {  	v62 =	vld.idx.msk [tilespmem:v58+s15+$0x0], $0xffff  }
0x1bf: {  	v7 =	vor.u32 $0xF, v7;
	v4 =	vadd.f32 v59, v4  }
0x1c0: {  	v63 =	vld.idx.msk [tilespmem:v60+s15+$0x0], $0xffff  }
0x1c1: {  	v4 =	vadd.f32 v5, v4  }
0x1c2: {  	v5 =	vld.idx.msk [tilespmem:v61+s15+$0x0], $0xffff  }
0x1c3: {  	v4 =	vadd.f32 v62, v4  }
0x1c4: {  	v7 =	vld.idx.msk [tilespmem:v7+s15+$0x0], $0xffff  }
0x1c5: {  	v4 =	vadd.f32 v63, v4;
	_ =	sdelay $0x1  }
0x1c6: {  	v4 =	vadd.f32 v5, v4;
	_ =	sdelay $0x1  }
0x1c7: {  	v4 =	vadd.f32 v7, v4  }
0x1c8: {  	s0 =	sadd.s32 $0x10, s0  }
0x1c9: {  	s26 =	rddreg [dreg:$0xd];
	s3 =	simm.s32 $0x12200;
	[tilespmem:s0+$0x0] =	vst v4  }
0x1ca: {  	[hbm4b:s26+s2] =	stream.linear.scatter [tilespmem:s3], [sflag:$0x3], $0x80, $0x38;
	[tilespmem:$0x12300] =	vst v63  }
0x1cb: {  	_ =	swait.ge [sflag:s1], $0x80  }
0x1cc: {  	[sflag:s1] =	ssyncset.done $0x0  }
0x1cd: {  	s29 =	simm.s32 $0x12280;
	s28 =	rddreg [dreg:$0xe];
	[sflag:s1] =	ssyncadd.s32 $0xFFFFFF80  }
0x1ce: {  	[hbm4b:s28+s2] =	stream.linear.scatter [tilespmem:s29], [sflag:$0x3], $0x80, $0x38;
	[tilespmem:$0x12300] =	vst v63  }
0x1cf: {  	_ =	swait.ge [sflag:s1], $0x80  }
0x1d0: {  	s30 =	rddreg [dreg:$0x10]  }
0x1d1: {  	s31 =	rddreg [dreg:$0xf];
	s3 =	sadd.s32 $0x1, s30  }
0x1d2: {  	p0 =	sne.s32 s3, s31  }
.Ltmp7:
0x1d3: {  	_ = 	snop;
	(pc) =	sbr.rel @p0 .LBB2_1-.Ltmp7, $3  }
0x1d4: {  	_ =	sdelay $0x1  }
0x1d5: {  	[sflag:s1] =	ssyncset.done $0x0  }
0x1d6: {  	[sflag:s1] =	ssyncadd.s32 $0xFFFFFF80  }
0x1d7: {  	_ =	sfence.sel $0x180000  }
0x1d8: {  	[bflag:$0x0] =	sbarrier.arrive $0xFFFF  }
0x1d9: {  	_ =	strace $0x9000004A  }
0x1da: {  	s0 =	stileid.u32;
	[bflag:$0x2] =	sbarrier.arrive $0xFFFF  }
0x1db: {  	p0 =	sne.s32 s0, $0x0;
	s0 =	rddreg [dreg:$0x2]  }
0x1dc: {  	s0 =	sadd.s32 @!p0 $0x100000, s0  }
0x1dd: {  	[sflag:s0] =	ssyncadd.tile.s32 @!p0 $0x1;
	_ =	shalt  }
.Lfunc_end2:
_tile_overlayer_lowered:
.L_overlay_start_2:
0x1de: {  	(tag) =	ssettag $0x2  }
0x1df: {  	s0 =	rddreg [dreg:$0x0];
	s2 =	stileid.u32  }
0x1e0: {  	s1 =	rddreg [dreg:$0x1];
	p0 =	sne.s32 s2, $0x0  }
0x1e1: {  	s3 =	rddreg [dreg:$0x2];
	[bflag:$0x3] =	sbarrier.arrive $0xFFFF;
	s2 =	simm.s32 @!p0 $0x1C03  }
0x1e2: {  	[timem:s3], [sflag:s2] =	dma.local @!p0 [hbm:s0], s1  }
0x1e3: {  	s0 =	simm.s32 @!p0 $0x3  }
0x1e4: {  	_ =	swait.ge @!p0 [sflag:s0], s1  }
0x1e5: {  	s1 =	ssub.s32 @!p0 $0x0, s1;
	[sflag:s0] =	ssyncset.done @!p0 $0x0  }
0x1e6: {  	[sflag:s0] =	ssyncadd.s32 @!p0 s1  }
0x1e7: {  	[bflag:$0x3] =	sbarrier.arrive $0xFFFF  }
0x1e8: {  	_ =	shalt  }

// kernel: sparse-core-data-format-call.cloned.1.call-start
scs
called_computation_lowered:
.L_overlay_start_0:
0x0: {  	s2 =	sld [smem:$0x3FD9]  }
0x1: {  	s3 =	sld [smem:$0x3FFE];
	_ =	sdelay $0x1  }
0x2: {  	s1 =	srdreg.scid  }
0x3: {  	s0 =	sand.u32 $0x1, s1  }
0x4: {  	s18 =	sshll.u32 s0, $0xA;
	s2 =	sadd.s32 s3, s2  }
0x5: {  	s2 =	sadd.s32 s2, s18  }
0x6: {  	[smem:$0x3FC4] =	sst s2  }
0x7: {  	_ = 	snop  }
0x8: {  	s2 =	sld [smem:$0x3FC9];
	(tm) =	ssettm $0x1  }
0x9: {  	s19 =	sld [smem:$0x3FFB];
	_ =	sdelay $0x3  }
0xa: {  	_ =	strace s19  }
0xb: {  	s3 =	sld [smem:$0x3FFC];
	_ =	sdelay $0x3  }
0xc: {  	_ =	strace s3  }
0xd: {  	s3 =	sld [smem:$0x3FFD];
	_ =	sdelay $0x3  }
0xe: {  	_ =	strace s3  }
0xf: {  	_ =	strace $0x8FFFFFFF  }
0x10: {  	s20 =	sld [smem:$0x3FDB];
	_ =	sdelay $0x1  }
0x11: {  	s4 =	simm.s32 $_scs_section_size  }
0x12: {  	s5 =	simm.s32 $_size__tile_overlayer_lowered;
	s6 =	simm.s32 $_tile_overlayer_lowered  }
0x13: {  	s23 =	simm.s32 $0x1BFF;
	s22 =	sshll.u32 s6, $0x1;
	s3 =	sadd.s32 s4, s20  }
0x14: {  	s7 =	simm.s32 $0x0;
	s21 =	sshll.u32 s5, $0x1;
	s5 =	sadd.s32 s22, s3  }
0x15: {  	[timem:s7], [sflag:s23] =	dma.local [hbm:s5], s21  }
0x16: {  	_ =	swait.ge [sflag:s23], s21  }
0x17: {  	s4 =	ssub.s32 $0x0, s21;
	[sflag:s23] =	ssyncset.done $0x0  }
0x18: {  	[sflag:s23] =	ssyncadd.s32 s4;
	_ =	sdelay $0x1  }
0x19: {  	s24 =	simm.s32 $0x1B8B  }
0x1a: {  	_ =	swait.ge [sflag:s24], $0x1  }
0x1b: {  	[sflag:s24] =	ssyncset.done $0x0  }
0x1c: {  	s26 =	simm.s32 $0x1B8E;
	s25 =	sld [smem:$0x3FFE];
	[sflag:s24] =	ssyncadd.s32 $0xFFFFFFFF  }
0x1d: {  	s27 =	simm.s32 $execute0_lowered;
	[smem:$0x3FD2] =	sst s26  }
0x1e: {  	s5 =	sshll.u32 s27, $0x1;
	_ =	strace $0x80000046;
	[dreg:$0x1] =	wrdreg $0xFFFFFFFF  }
0x1f: {  	s28 =	simm.s32 $_size_execute0_lowered;
	s3 =	sadd.s32 s3, s5;
	[dreg:$0x0] =	wrdreg $0x0  }
0x20: {  	s5 =	sshll.u32 s28, $0x1;
	[dreg:$0x2] =	wrdreg s3  }
0x21: {  	[dreg:$0x3] =	wrdreg s5  }
0x22: {  	[dreg:$0x4] =	wrdreg $0xC0  }
0x23: {  	_ =	task [dreg:s7], $0x5FFFF  }
0x24: {  	[dreg:$0x1] =	wrdreg $0xFFFFFFFF  }
0x25: {  	[dreg:$0x0] =	wrdreg $0x60  }
0x26: {  	[dreg:$0x2] =	wrdreg s2  }
0x27: {  	[dreg:$0x3] =	wrdreg s25  }
0x28: {  	[dreg:$0x4] =	wrdreg $0x9  }
0x29: {  	_ =	task.clear_ibuf [dreg:s7], $0x5FFFF;
	_ =	strace $0x90000046  }
0x2a: {  	s29 =	simm.s32 $0x9;
	_ =	strace $0x80000048  }
0x2b: {  	_ =	swait.ge [sflag:s29], $0x1  }
0x2c: {  	[sflag:s29] =	ssyncadd.s32 $0xFFFFFFFF  }
0x2d: {  	_ =	strace $0x90000048  }
0x2e: {  	_ =	sfence  }
0x2f: {  	s30 =	sld [smem:$0x0];
	_ =	sdelay $0x2  }
0x30: {  	s31 =	sshll.u32 s1, $0xD;
	s1 =	sshrl.u32 s1, $0x2  }
0x31: {  	s3 =	sand.u32 $0x4000, s31;
	s1 =	sadd.s32 s1, s30  }
0x32: {  	s0 =	sor.u32 s3, s0;
	s1 =	sshll.u32 s1, $0x11  }
0x33: {  	s0 =	sor.u32 s1, s0  }
0x34: {  	s0 =	sadd.s32 $0x8F2B, s0  }
0x35: {  	[sflag:s0] =	ssyncadd.remote.s32 $0x1  }
0x36: {  	_ =	sfence.sel $0xFFFF  }
0x37: {  	[dreg:$0x0] =	wrdreg $0xFFFFFFFF;
	(pc) =	sbr.abs _section_cstart, $3  }
0x38: {  	[dreg:$0x1] =	wrdreg $0xFFFFFFFF  }
0x39: {  	_ =	task.clear_ibuf [dreg:s7], $0x2FFFF;
	_ =	strace $0x9FFFFFFF  }
0x3a: {  	(tm) =	ssettm $0x7FFFFFFF  }
0x3b: {  	_ =	shalt  }
tec
execute0_lowered:
.L_overlay_start_1:
0x0: {  	(tag) =	ssettag $0x1  }
0x1: {  	s0 =	stileid.u32;
	s3 =	rddreg [dreg:$0x0]  }
0x2: {  	s1 =	srdreg.scid;
	s8 =	rddreg [dreg:$0x1]  }
0x3: {  	s31 =	simm.s32 $0x2;
	s2 =	sshll.u32 s0, $0x6;
	s1 =	sshll.u32 s1, $0xA  }
0x4: {  	s16 =	simm.s32 $0x0;
	s9 =	simm.s32 $0x4000;
	s1 =	sor.u32 s2, s1  }
0x5: {  	s14 =	simm.s32 $0x0;
	s15 =	simm.s32 $0x0;
	s1 =	sand.u32 $0x780, s1  }
0x6: {  	s10 =	simm.s32 $0x0;
	s2 =	sand.u32 $0x1, s0;
	s4 =	ssub.s32 $0x800, s1  }
0x7: {  	s13 =	simm.s32 $0x0;
	s5 =	ssub.s32 $0x2, s2;
	s6 =	sand.u32 $0x780, s4  }
0x8: {  	s7 =	sshrl.u32 s5, $0x1;
	p0 =	sne.s32 s6, $0x0;
	s6 =	simm.s32 $0x1  }
0x9: {  	s5 =	sand.u32 $0x1, s5;
	s4 =	sshrl.u32 s4, $0xB;
	s6 =	simm.s32 @!p0 $0x0  }
.Ltmp0:
0xa: {  	s5 =	sadd.s32 s5, s7;
	s6 =	sadd.s32 s6, s4;
	(pc) =	sbr.rel .LBB1_1-.Ltmp0, $4  }
0xb: {  	s12 =	smov.u32 s2;
	s11 =	smov.u32 s1;
	s7 =	smul.u32 s6, s5  }
0xc: {  	s4 =	rddreg [dreg:$0x2];
	_ =	strace $0x80000047;
	s6 =	simm.s32 $0x1  }
0xd: {  	p0 =	por $0x0, $0x0;
	[sflag:s6] =	ssyncpa.u1 $0x0;
	s7 =	sshll.u32 s7, $0x4  }
0xe: {  	s5 =	sadd.s32 $0x1000, s8;
	[sflag:s31] =	ssyncpa.u1 $0x0;
	s8 =	sor.u32 $0x1, s7  }
.LBB1_4:
0xf: {  	v5 =	vld [tilespmem:s19+$0xFFFFFFD0]  }
0x10: {  	[tilespmem:s20+$0x2040 ss:$0x81] =	vst.msk $0xffff, v1;
	v58 =	vld [tilespmem:s19+$0xFFFFFFE0]  }
0x11: {  	[tilespmem:s20+$0x2850 ss:$0x81] =	vst.msk $0xffff, v2;
	v59 =	vld [tilespmem:s19+$0xFFFFFFF0]  }
0x12: {  	s21 =	sshra.s32 s21, $0x2;
	[tilespmem:s20+$0x3060 ss:$0x81] =	vst.msk $0xffff, v3;
	v60 =	vld [tilespmem:s19+$0x0]  }
0x13: {  	[tilespmem:s20+$0x0 ss:$0x81] =	vst.msk $0xffff, v0;
	v61 =	vld [tilespmem:s19+$0x10];
	s18 =	sadd.s32 s21, s18  }
0x14: {  	s26 =	sshll.u32 s16, $0xB;
	v62 =	vld [tilespmem:s19+$0x20];
	[tilespmem:s18+$0x3870 ss:$0x81] =	vst.msk $0xffff, v4  }
0x15: {  	s27 =	sand.u32 $0x78, s14;
	s22 =	sshll.u32 s14, $0x3;
	v63 =	vld [tilespmem:s19+$0xFFFFFFC0];
	s29 =	sshll.u32 s16, $0x7;
	[tilespmem:s18+$0x810 ss:$0x81] =	vst.msk $0xffff, v5  }
0x16: {  	s15 =	sshll.u32 s15, $0x13;
	s20 =	sand.u32 $0x3FC000, s26;
	s28 =	sand.u32 $0x3FFC00, s22;
	[tilespmem:s18+$0x1020 ss:$0x81] =	vst.msk $0xffff, v58  }
0x17: {  	s31 =	sand.u32 $0x7, s14;
	s22 =	sand.u32 $0x400, s22;
	s19 =	sadd.s32 s28, s20;
	[tilespmem:s18+$0x1830 ss:$0x81] =	vst.msk $0xffff, v59  }
0x18: {  	s16 =	sand.u32 $0x380, s29;
	s30 =	sor.u32 s27, s22;
	s19 =	sshrl.u32 s19, $0x3;
	[tilespmem:s18+$0x2040 ss:$0x81] =	vst.msk $0xffff, v60  }
0x19: {  	s15 =	sadd.s32 s5, s15;
	s16 =	sor.u32 s16, s30;
	s19 =	sand.u32 $0x7FF00, s19;
	[tilespmem:s18+$0x2850 ss:$0x81] =	vst.msk $0xffff, v61  }
0x1a: {  	s14 =	sshll.u32 s31, $0x12;
	s16 =	sshrl.u32 s16, $0x3;
	[tilespmem:s18+$0x3060 ss:$0x81] =	vst.msk $0xffff, v62;
	s15 =	sadd.s32 s19, s15  }
0x1b: {  	s14 =	sor.u32 $0x400, s14;
	[tilespmem:s18+$0x0 ss:$0x81] =	vst.msk $0xffff, v63;
	s15 =	sadd.s32 s16, s15  }
0x1c: {  	[hbm4b:s15+s14] =	stream.strided.scatter [tilespmem:s17], [sflag:$0x2], $0x4000, s9, s14, $0x20;
	[tilespmem:$0x10100] =	vst v63  }
.LBB1_5:
0x1d: {  	s17 =	sadd.s32 $0x80, s10  }
0x1e: {  	s14 =	sadd.s32 $0x800, s11;
	s18 =	smov.u32 s11;
	p2 =	sgt.s32 s17, $0x7FF  }
0x1f: {  	s18 =	smov.u32 @p2 s14  }
0x20: {  	s20 =	smov.u32 s12;
	s14 =	sadd.s32 $0x2, s12;
	p3 =	sgt.s32 s18, $0x7FF  }
0x21: {  	s20 =	smov.u32 @p3 s14  }
0x22: {  	s17 =	simm.s32 @p2 $0x0;
	p2 =	sgt.s32 s20, $0x1  }
0x23: {  	p1 =	slt.u32 s13, $0x2;
	s20 =	smov.u32 @p2 s2;
	p2 =	sne.s32 s13, s8  }
.Ltmp1:
0x24: {  	s19 =	simm.s32 @!p1 $0x2;
	(pc) =	sbr.rel @!p2 .LBB1_6-.Ltmp1, $4  }
0x25: {  	s16 =	smov.u32 s10;
	s15 =	smov.u32 s12;
	_ =	swait.ge @!p1 [sflag:s19], $0x4000  }
0x26: {  	p0 =	por !p0, !p0;
	[sflag:s19] =	ssyncset.done @!p1 $0x0;
	s10 =	smov.u32 s17  }
0x27: {  	s18 =	smov.u32 @p3 s1;
	s14 =	smov.u32 s11;
	[sflag:s19] =	ssyncadd.s32 @!p1 $0xFFFFC000  }
0x28: {  	s11 =	smov.u32 s18;
	s13 =	sadd.s32 $0x1, s13;
	s12 =	smov.u32 s20  }
.LBB1_1:
0x29: {  	p1 =	sge.u32 s13, s7;
	s31 =	sadd.s32 $0xFFFFFFFF, s13  }
0x2a: {  	s17 =	sxor.u32 @!p1 $0xFFFFFFFF, s13;
	s18 =	sand.u32 @!p1 $0x78, s10;
	s19 =	sshll.u32 @!p1 s11, $0xB  }
0x2b: {  	s20 =	sshll.u32 @!p1 s11, $0x7;
	s21 =	sshll.u32 @!p1 s10, $0x3;
	s17 =	sshll.u32 @!p1 s17, $0xE  }
0x2c: {  	s19 =	sand.u32 @!p1 $0x3FC000, s19;
	s20 =	sand.u32 @!p1 $0x380, s20;
	s17 =	sand.u32 @!p1 $0x4000, s17  }
0x2d: {  	s19 =	sadd.s32 @!p1 s19, s21;
	s21 =	sand.u32 @!p1 $0x400, s21;
	s18 =	sor.u32 @!p1 s20, s18  }
0x2e: {  	s20 =	sshll.u32 @!p1 s12, $0x13;
	s18 =	sor.u32 @!p1 s21, s18;
	s19 =	sshrl.u32 @!p1 s19, $0x3  }
0x2f: {  	s20 =	sadd.s32 @!p1 s3, s20;
	s21 =	sand.u32 @!p1 $0x7, s10;
	s19 =	sand.u32 @!p1 $0x7FF00, s19  }
0x30: {  	s18 =	sshrl.u32 @!p1 s18, $0x3;
	s19 =	sadd.s32 @!p1 s19, s20;
	s20 =	sshll.u32 @!p1 s21, $0x12  }
0x31: {  	s18 =	sadd.s32 @!p1 s18, s19;
	s19 =	sor.u32 @!p1 $0x400, s20;
	s20 =	simm.s32 @!p1 $0x4000  }
0x32: {  	[tilespmem:s17], [sflag:$0x1] =	stream.strided.gather @!p1 [hbm4b:s18+s19], $0x4000, s20, s19, $0x38;
	[tilespmem:$0x10100] =	vst v63  }
0x33: {  	p1 =	sge.u32 s31, s7  }
.Ltmp2:
0x34: {  	_ = 	snop;
	(pc) =	sbr.rel @p1 .LBB1_5-.Ltmp2, $1  }
0x35: {  	_ =	sdelay $0x3  }
0x36: {  	s17 =	simm.s32 $0x1  }
0x37: {  	_ =	swait.ge [sflag:s6], $0x4000;
	s17 =	simm.s32 @!p0 $0x0  }
0x38: {  	[sflag:s6] =	ssyncset.done $0x0;
	s18 =	sshll.u32 s17, $0xE  }
0x39: {  	[sflag:s6] =	ssyncadd.s32 $0xFFFFC000;
	s19 =	sor.u32 $0x40, s18  }
0x3a: {  	s17 =	smul.u32 $0x10200, s17;
	v0 =	vld [tilespmem:s19+$0x30]  }
0x3b: {  	v3 =	vld [tilespmem:s19+$0xFFFFFFD0]  }
0x3c: {  	s17 =	sshrl.u32 s17, $0x2;
	v4 =	vld [tilespmem:s19+$0xFFFFFFE0]  }
0x3d: {  	v5 =	vld [tilespmem:s19+$0xFFFFFFF0];
	s18 =	sor.u32 $0x8000, s17  }
0x3e: {  	s31 =	sand.u32 $0x1, s13;
	v1 =	vld [tilespmem:s19+$0x0];
	s20 =	sadd.s32 $0x0, s18  }
0x3f: {  	v2 =	vld [tilespmem:s19+$0x10];
	s17 =	smul.u32 $0x10200, s31;
	[tilespmem:s20+$0x3870 ss:$0x81] =	vst.msk $0xffff, v0  }
0x40: {  	[tilespmem:s20+$0x810 ss:$0x81] =	vst.msk $0xffff, v3;
	v3 =	vld [tilespmem:s19+$0x20]  }
0x41: {  	s17 =	sshrl.u32 s17, $0x2;
	v0 =	vld [tilespmem:s19+$0xFFFFFFC0];
	[tilespmem:s20+$0x1020 ss:$0x81] =	vst.msk $0xffff, v4;
	s19 =	sadd.s32 $0x80, s19  }
0x42: {  	s21 =	simm.s32 $0x4;
	s22 =	simm.s32 $0x8;
	s17 =	sor.u32 $0x8000, s17;
	[tilespmem:s20+$0x1830 ss:$0x81] =	vst.msk $0xffff, v5;
	v4 =	vld [tilespmem:s19+$0x30]  }
.LBB1_3:
0x43: {  	p1 =	sne.s32 s22, $0x1FC;
	v5 =	vld [tilespmem:s19+$0xFFFFFFD0];
	[tilespmem:s20+$0x2040 ss:$0x81] =	vst.msk $0xffff, v1  }
0x44: {  	v6 =	vld [tilespmem:s19+$0xFFFFFFE0];
	[tilespmem:s20+$0x2850 ss:$0x81] =	vst.msk $0xffff, v2  }
0x45: {  	s23 =	sshra.s32 s21, $0x2;
	s21 =	smov.u32 s22;
	v7 =	vld [tilespmem:s19+$0xFFFFFFF0];
	[tilespmem:s20+$0x3060 ss:$0x81] =	vst.msk $0xffff, v3  }
.Ltmp3:
0x46: {  	v1 =	vld [tilespmem:s19+$0x0];
	[tilespmem:s20+$0x0 ss:$0x81] =	vst.msk $0xffff, v0;
	s20 =	sadd.s32 s23, s18;
	(pc) =	sbr.rel @p1 .LBB1_3-.Ltmp3, $4  }
0x47: {  	v2 =	vld [tilespmem:s19+$0x10];
	[tilespmem:s20+$0x3870 ss:$0x81] =	vst.msk $0xffff, v4  }
0x48: {  	[tilespmem:s20+$0x810 ss:$0x81] =	vst.msk $0xffff, v5;
	v3 =	vld [tilespmem:s19+$0x20]  }
0x49: {  	v0 =	vld [tilespmem:s19+$0xFFFFFFC0];
	[tilespmem:s20+$0x1020 ss:$0x81] =	vst.msk $0xffff, v6;
	s19 =	sadd.s32 $0x80, s19  }
0x4a: {  	s22 =	sadd.s32 $0x4, s22;
	v4 =	vld [tilespmem:s19+$0x30];
	[tilespmem:s20+$0x1830 ss:$0x81] =	vst.msk $0xffff, v7  }
.Ltmp4:
0x4b: {  	_ = 	snop;
	(pc) =	sbr.rel .LBB1_4-.Ltmp4, $1  }
0x4c: {  	_ =	sdelay $0x3  }
.LBB1_6:
0x4d: {  	_ =	sfence.sel $0x180000  }
0x4e: {  	s1 =	simm.s32 $0x1;
	[bflag:$0x0] =	sbarrier.arrive $0xFFFF  }
0x4f: {  	s31 =	simm.s32 $0x2;
	[sflag:s1] =	ssyncpa.u1 $0x1  }
0x50: {  	[sflag:s31] =	ssyncpa.u1 $0x1  }
0x51: {  	p0 =	sne.s32 s0, $0x0;
	_ =	strace $0x90000047  }
0x52: {  	s0 =	sadd.s32 @!p0 $0x100000, s4;
	[bflag:$0x2] =	sbarrier.arrive $0xFFFF  }
0x53: {  	[sflag:s0] =	ssyncadd.tile.s32 @!p0 $0x1;
	_ =	shalt  }
.Lfunc_end1:
_tile_overlayer_lowered:
.L_overlay_start_2:
0x54: {  	(tag) =	ssettag $0x2  }
0x55: {  	s0 =	rddreg [dreg:$0x0];
	s2 =	stileid.u32  }
0x56: {  	s1 =	rddreg [dreg:$0x1];
	p0 =	sne.s32 s2, $0x0  }
0x57: {  	s3 =	rddreg [dreg:$0x2];
	[bflag:$0x3] =	sbarrier.arrive $0xFFFF;
	s2 =	simm.s32 @!p0 $0x1C01  }
0x58: {  	[timem:s3], [sflag:s2] =	dma.local @!p0 [hbm:s0], s1  }
0x59: {  	s0 =	simm.s32 @!p0 $0x1  }
0x5a: {  	_ =	swait.ge @!p0 [sflag:s0], s1  }
0x5b: {  	s1 =	ssub.s32 @!p0 $0x0, s1;
	[sflag:s0] =	ssyncset.done @!p0 $0x0  }
0x5c: {  	[sflag:s0] =	ssyncadd.s32 @!p0 s1  }
0x5d: {  	[bflag:$0x3] =	sbarrier.arrive $0xFFFF  }
0x5e: {  	_ =	shalt  }

</sc_bundles>
